<compile_context>
chip_gen: v7x
topology: tpu7x:2x2x1
jax: 0.10.2.dev20260603
libtpu: 0.0.44.dev20260713+nightly
codegen_flags: <defaults>
</compile_context>

<pallas_src>
import functools

import jax
import jax.numpy as jnp
from jax import lax
from jax.experimental import pallas as pl
from jax.experimental.pallas import tpu as pltpu
from jax.experimental.pallas import tpu_sc as plsc

B = 16384
SEQ = 200
HID = 128
NCLS = 10



_NCH = 8


def _sc_gather(emb, idx):
    info = plsc.get_sparse_core_info()
    nw = info.num_cores * info.num_subcores
    b_per_w = B // nw
    c = b_per_w // _NCH

    mesh = plsc.VectorSubcoreMesh(core_axis_name="c", subcore_axis_name="s")

    @functools.partial(
        pl.kernel,
        mesh=mesh,
        out_type=jax.ShapeDtypeStruct((B, HID), jnp.float32),
        scratch_types=[
            pltpu.VMEM((b_per_w,), jnp.int32),
            pltpu.VMEM((_NCH, c, HID), jnp.float32),
            pltpu.SemaphoreType.DMA,
            pltpu.SemaphoreType.DMA,
        ],
    )
    def gather_kernel(table_hbm, idx_hbm, out_hbm, idx_v, rows_v, gsem, wsem):
        wid = lax.axis_index("s") * info.num_cores + lax.axis_index("c")
        base = wid * b_per_w
        pltpu.sync_copy(idx_hbm.at[pl.ds(base, b_per_w)], idx_v)
        gathers = [
            pltpu.async_copy(table_hbm.at[idx_v.at[pl.ds(k * c, c)]],
                             rows_v.at[k], gsem)
            for k in range(_NCH)
        ]
        writes = []
        for k in range(_NCH):
            gathers[k].wait()
            writes.append(
                pltpu.async_copy(rows_v.at[k],
                                 out_hbm.at[pl.ds(base + k * c, c)], wsem))
        for w in writes:
            w.wait()

    return gather_kernel(emb, idx)



def _mlp_body(x_ref, g_ref, w1_ref, b1_ref, w2_ref, b2_ref, w3_ref, b3_ref,
              o_ref):
    bf = jnp.bfloat16
    h = jnp.dot(x_ref[...].astype(bf), w1_ref[...].astype(bf),
                preferred_element_type=jnp.float32)
    h = jnp.maximum(h + b1_ref[...], 0.0)
    h = h * jax.nn.sigmoid(g_ref[...])
    h = jnp.dot(h.astype(bf), w2_ref[...].astype(bf),
                preferred_element_type=jnp.float32)
    h = jnp.maximum(h + b2_ref[...], 0.0)
    o = (jnp.dot(h.astype(bf), w3_ref[...].astype(bf),
                 preferred_element_type=jnp.float32) + b3_ref[...])
    o_ref[...] = jnp.transpose(o)


def _mlp(x, g, W1, b1, W2, b2, W3, b3, blk):
    return pl.pallas_call(
        _mlp_body,
        grid=(B // blk,),
        in_specs=[
            pl.BlockSpec((blk, SEQ), lambda i: (i, 0)),
            pl.BlockSpec((blk, HID), lambda i: (i, 0)),
            pl.BlockSpec((SEQ, HID), lambda i: (0, 0)),
            pl.BlockSpec((1, HID), lambda i: (0, 0)),
            pl.BlockSpec((HID, HID), lambda i: (0, 0)),
            pl.BlockSpec((1, HID), lambda i: (0, 0)),
            pl.BlockSpec((HID, NCLS), lambda i: (0, 0)),
            pl.BlockSpec((1, NCLS), lambda i: (0, 0)),
        ],
        out_specs=pl.BlockSpec((NCLS, blk), lambda i: (0, i)),
        out_shape=jax.ShapeDtypeStruct((NCLS, B), jnp.float32),
    )(x, g, W1, b1.reshape(1, HID), W2, b2.reshape(1, HID),
      W3, b3.reshape(1, NCLS))


def kernel(x, condition_id, emb, W1, b1, W2, b2, W3, b3):
    g = _sc_gather(emb, condition_id)
    return jnp.transpose(_mlp(x, g, W1, b1, W2, b2, W3, b3, blk=4096))

# --- scband reference (transcript-rebuilt; emitter-appended) ---
"""Pipeline reference for scband-embedding-gated-student-88819923681645 (READ-ONLY COPY).

The authoritative reference and input builder live on the scoring server;
editing this copy changes nothing except your own understanding.
"""

import jax, jax.numpy as jnp
import numpy as np

B = 16384
SEQ_LEN = 200
HIDDEN = 128
N_CLASSES = 10
N_CONDITIONS = 100000

def setup_inputs(seed: int = 0) -> dict:
    key = jax.random.key(seed)
    ks = jax.random.split(key, 10)
    x = jax.random.normal(ks[0], (B, SEQ_LEN), dtype=jnp.float32)
    condition_id = jax.random.randint(ks[1], (B,), 0, N_CONDITIONS, dtype=jnp.int64 if jax.config.jax_enable_x64 else jnp.int32)
    emb = jax.random.normal(ks[2], (N_CONDITIONS, HIDDEN), dtype=jnp.float32)
    W1 = jax.random.normal(ks[3], (SEQ_LEN, HIDDEN), dtype=jnp.float32) * (1.0 / np.sqrt(SEQ_LEN))
    b1 = jnp.zeros((HIDDEN,), dtype=jnp.float32)
    W2 = jax.random.normal(ks[4], (HIDDEN, HIDDEN), dtype=jnp.float32) * (1.0 / np.sqrt(HIDDEN))
    b2 = jnp.zeros((HIDDEN,), dtype=jnp.float32)
    W3 = jax.random.normal(ks[5], (HIDDEN, N_CLASSES), dtype=jnp.float32) * (1.0 / np.sqrt(HIDDEN))
    b3 = jnp.zeros((N_CLASSES,), dtype=jnp.float32)
    return {"x": x, "condition_id": condition_id, "emb": emb, "W1": W1, "b1": b1, "W2": W2, "b2": b2, "W3": W3, "b3": b3}

def reference(x, condition_id, emb, W1, b1, W2, b2, W3, b3):
    h = jax.nn.relu(x @ W1 + b1)
    cond = jnp.take(emb, condition_id, axis=0)
    h = h * jax.nn.sigmoid(cond)
    h = jax.nn.relu(h @ W2 + b2)
    return h @ W3 + b3

if __name__ == "__main__":
    import jax
    _d = setup_inputs()
    print(jax.jit(kernel)(*tuple(_d.values())))

</pallas_src>

<mosaic_0001>
#map = affine_map<(d0, d1) -> (0, 0)>
#map1 = affine_map<(d0, d1) -> (0)>
module attributes {stable_mosaic.version = 14 : i64} {
  func.func @gather_kernel(%arg0: i32, %arg1: i32, %arg2: memref<100000x128xf32, #tpu.memory_space<hbm>>, %arg3: memref<16384xi32, #tpu.memory_space<hbm>>, %arg4: memref<16384x128xf32, #tpu.memory_space<hbm>>, %arg5: memref<512xi32, #tpu.memory_space<vmem>>, %arg6: memref<8x64x128xf32, #tpu.memory_space<vmem>>, %arg7: memref<!tpu.dma_semaphore, #tpu.memory_space<semaphore_mem>>, %arg8: memref<!tpu.dma_semaphore, #tpu.memory_space<semaphore_mem>>) attributes {dimension_semantics = [#tpu.dimension_semantics<core_parallel>, #tpu.dimension_semantics<subcore_parallel>], iteration_bounds = array<i64: 2, 16>, scalar_prefetch = 0 : i64, scratch_operands = 4 : i64, tpu.core_type = #tpu.core_type<sc_vector_subcore>, window_params = [{transform_indices = #map}, {transform_indices = #map1}, {transform_indices = #map}]} {
    %mul3A = arith.constant 2 : i32
    %mul3A_0 = arith.muli %arg1, %mul3A : i32
    %add3A = arith.addi %mul3A_0, %arg0 : i32
    %mul3A_1 = arith.constant 512 : i32
    %mul3A_2 = arith.muli %add3A, %mul3A_1 : i32
    "tpu.region"() ({
      %run_scoped3A = tpu.sem_alloc : memref<!tpu.dma_semaphore, #tpu.memory_space<semaphore_mem>>
      %dma_start3A_385 = tpu.memref_slice %arg3[%mul3A_2] : memref<16384xi32, #tpu.memory_space<hbm>> -> memref<512xi32, #tpu.memory_space<hbm>>
      %dma_start3A_386 = tpu.memref_slice %arg3[%mul3A_2] : memref<16384xi32, #tpu.memory_space<hbm>> -> memref<512xi32, #tpu.memory_space<hbm>>
      tpu.enqueue_dma source(%dma_start3A_386 : memref<512xi32, #tpu.memory_space<hbm>>) target(%arg5 : memref<512xi32, #tpu.memory_space<vmem>>) target_semaphore(%run_scoped3A : memref<!tpu.dma_semaphore, #tpu.memory_space<semaphore_mem>>)
      %dma_wait3A_387 = tpu.memref_slice %arg3[%mul3A_2] : memref<16384xi32, #tpu.memory_space<hbm>> -> memref<512xi32, #tpu.memory_space<hbm>>
      %dma_wait3A_388 = tpu.memref_slice %arg3[%mul3A_2] : memref<16384xi32, #tpu.memory_space<hbm>> -> memref<512xi32, #tpu.memory_space<hbm>>
      tpu.wait_dma2 semaphore(%run_scoped3A : memref<!tpu.dma_semaphore, #tpu.memory_space<semaphore_mem>>) src(%dma_wait3A_388 : memref<512xi32, #tpu.memory_space<hbm>>) dst(%arg5 : memref<512xi32, #tpu.memory_space<vmem>>)
      tpu.yield
    }) : () -> ()
    %dma_start3A = arith.constant 0 : i32
    %dma_start3A_3 = arith.constant 0 : i32
    %dma_start3A_4 = arith.constant 0 : i32
    %dma_start3A_5 = tpu.memref_slice %arg6[%dma_start3A, %dma_start3A_3, %dma_start3A_4] : memref<8x64x128xf32, #tpu.memory_space<vmem>> -> memref<1x64x128xf32, #tpu.memory_space<vmem>>
    %dma_start3A_6 = tpu.memref_squeeze %dma_start3A_5 : memref<1x64x128xf32, #tpu.memory_space<vmem>> -> memref<64x128xf32, #tpu.memory_space<vmem>>
    %dma_start3A_7 = arith.constant 0 : i32
    %dma_start3A_8 = tpu.memref_slice %arg5[%dma_start3A_7] : memref<512xi32, #tpu.memory_space<vmem>> -> memref<64xi32, #tpu.memory_space<vmem>>
    %dma_start3A_9 = arith.constant 0 : i32
    %dma_start3A_10 = arith.constant 0 : i32
    %dma_start3A_11 = tpu.memref_slice %arg2[%dma_start3A_9, %dma_start3A_10] : memref<100000x128xf32, #tpu.memory_space<hbm>> -> memref<100000x128xf32, #tpu.memory_space<hbm>>
    tpu.enqueue_indirect_dma source(%dma_start3A_11 : memref<100000x128xf32, #tpu.memory_space<hbm>>) target(%dma_start3A_6 : memref<64x128xf32, #tpu.memory_space<vmem>>) offsets(%dma_start3A_8 : memref<64xi32, #tpu.memory_space<vmem>>) semaphore(%arg7 : memref<!tpu.dma_semaphore, #tpu.memory_space<semaphore_mem>>)
    %dma_start3A_12 = arith.constant 1 : i32
    %dma_start3A_13 = arith.constant 0 : i32
    %dma_start3A_14 = arith.constant 0 : i32
    %dma_start3A_15 = tpu.memref_slice %arg6[%dma_start3A_12, %dma_start3A_13, %dma_start3A_14] : memref<8x64x128xf32, #tpu.memory_space<vmem>> -> memref<1x64x128xf32, #tpu.memory_space<vmem>>
    %dma_start3A_16 = tpu.memref_squeeze %dma_start3A_15 : memref<1x64x128xf32, #tpu.memory_space<vmem>> -> memref<64x128xf32, #tpu.memory_space<vmem>>
    %dma_start3A_17 = arith.constant 64 : i32
    %dma_start3A_18 = tpu.memref_slice %arg5[%dma_start3A_17] : memref<512xi32, #tpu.memory_space<vmem>> -> memref<64xi32, #tpu.memory_space<vmem>>
    %dma_start3A_19 = arith.constant 0 : i32
    %dma_start3A_20 = arith.constant 0 : i32
    %dma_start3A_21 = tpu.memref_slice %arg2[%dma_start3A_19, %dma_start3A_20] : memref<100000x128xf32, #tpu.memory_space<hbm>> -> memref<100000x128xf32, #tpu.memory_space<hbm>>
    tpu.enqueue_indirect_dma source(%dma_start3A_21 : memref<100000x128xf32, #tpu.memory_space<hbm>>) target(%dma_start3A_16 : memref<64x128xf32, #tpu.memory_space<vmem>>) offsets(%dma_start3A_18 : memref<64xi32, #tpu.memory_space<vmem>>) semaphore(%arg7 : memref<!tpu.dma_semaphore, #tpu.memory_space<semaphore_mem>>)
    %dma_start3A_22 = arith.constant 2 : i32
    %dma_start3A_23 = arith.constant 0 : i32
    %dma_start3A_24 = arith.constant 0 : i32
    %dma_start3A_25 = tpu.memref_slice %arg6[%dma_start3A_22, %dma_start3A_23, %dma_start3A_24] : memref<8x64x128xf32, #tpu.memory_space<vmem>> -> memref<1x64x128xf32, #tpu.memory_space<vmem>>
    %dma_start3A_26 = tpu.memref_squeeze %dma_start3A_25 : memref<1x64x128xf32, #tpu.memory_space<vmem>> -> memref<64x128xf32, #tpu.memory_space<vmem>>
    %dma_start3A_27 = arith.constant 128 : i32
    %dma_start3A_28 = tpu.memref_slice %arg5[%dma_start3A_27] : memref<512xi32, #tpu.memory_space<vmem>> -> memref<64xi32, #tpu.memory_space<vmem>>
    %dma_start3A_29 = arith.constant 0 : i32
    %dma_start3A_30 = arith.constant 0 : i32
    %dma_start3A_31 = tpu.memref_slice %arg2[%dma_start3A_29, %dma_start3A_30] : memref<100000x128xf32, #tpu.memory_space<hbm>> -> memref<100000x128xf32, #tpu.memory_space<hbm>>
    tpu.enqueue_indirect_dma source(%dma_start3A_31 : memref<100000x128xf32, #tpu.memory_space<hbm>>) target(%dma_start3A_26 : memref<64x128xf32, #tpu.memory_space<vmem>>) offsets(%dma_start3A_28 : memref<64xi32, #tpu.memory_space<vmem>>) semaphore(%arg7 : memref<!tpu.dma_semaphore, #tpu.memory_space<semaphore_mem>>)
    %dma_start3A_32 = arith.constant 3 : i32
    %dma_start3A_33 = arith.constant 0 : i32
    %dma_start3A_34 = arith.constant 0 : i32
    %dma_start3A_35 = tpu.memref_slice %arg6[%dma_start3A_32, %dma_start3A_33, %dma_start3A_34] : memref<8x64x128xf32, #tpu.memory_space<vmem>> -> memref<1x64x128xf32, #tpu.memory_space<vmem>>
    %dma_start3A_36 = tpu.memref_squeeze %dma_start3A_35 : memref<1x64x128xf32, #tpu.memory_space<vmem>> -> memref<64x128xf32, #tpu.memory_space<vmem>>
    %dma_start3A_37 = arith.constant 192 : i32
    %dma_start3A_38 = tpu.memref_slice %arg5[%dma_start3A_37] : memref<512xi32, #tpu.memory_space<vmem>> -> memref<64xi32, #tpu.memory_space<vmem>>
    %dma_start3A_39 = arith.constant 0 : i32
    %dma_start3A_40 = arith.constant 0 : i32
    %dma_start3A_41 = tpu.memref_slice %arg2[%dma_start3A_39, %dma_start3A_40] : memref<100000x128xf32, #tpu.memory_space<hbm>> -> memref<100000x128xf32, #tpu.memory_space<hbm>>
    tpu.enqueue_indirect_dma source(%dma_start3A_41 : memref<100000x128xf32, #tpu.memory_space<hbm>>) target(%dma_start3A_36 : memref<64x128xf32, #tpu.memory_space<vmem>>) offsets(%dma_start3A_38 : memref<64xi32, #tpu.memory_space<vmem>>) semaphore(%arg7 : memref<!tpu.dma_semaphore, #tpu.memory_space<semaphore_mem>>)
    %dma_start3A_42 = arith.constant 4 : i32
    %dma_start3A_43 = arith.constant 0 : i32
    %dma_start3A_44 = arith.constant 0 : i32
    %dma_start3A_45 = tpu.memref_slice %arg6[%dma_start3A_42, %dma_start3A_43, %dma_start3A_44] : memref<8x64x128xf32, #tpu.memory_space<vmem>> -> memref<1x64x128xf32, #tpu.memory_space<vmem>>
    %dma_start3A_46 = tpu.memref_squeeze %dma_start3A_45 : memref<1x64x128xf32, #tpu.memory_space<vmem>> -> memref<64x128xf32, #tpu.memory_space<vmem>>
    %dma_start3A_47 = arith.constant 256 : i32
    %dma_start3A_48 = tpu.memref_slice %arg5[%dma_start3A_47] : memref<512xi32, #tpu.memory_space<vmem>> -> memref<64xi32, #tpu.memory_space<vmem>>
    %dma_start3A_49 = arith.constant 0 : i32
    %dma_start3A_50 = arith.constant 0 : i32
    %dma_start3A_51 = tpu.memref_slice %arg2[%dma_start3A_49, %dma_start3A_50] : memref<100000x128xf32, #tpu.memory_space<hbm>> -> memref<100000x128xf32, #tpu.memory_space<hbm>>
    tpu.enqueue_indirect_dma source(%dma_start3A_51 : memref<100000x128xf32, #tpu.memory_space<hbm>>) target(%dma_start3A_46 : memref<64x128xf32, #tpu.memory_space<vmem>>) offsets(%dma_start3A_48 : memref<64xi32, #tpu.memory_space<vmem>>) semaphore(%arg7 : memref<!tpu.dma_semaphore, #tpu.memory_space<semaphore_mem>>)
    %dma_start3A_52 = arith.constant 5 : i32
    %dma_start3A_53 = arith.constant 0 : i32
    %dma_start3A_54 = arith.constant 0 : i32
    %dma_start3A_55 = tpu.memref_slice %arg6[%dma_start3A_52, %dma_start3A_53, %dma_start3A_54] : memref<8x64x128xf32, #tpu.memory_space<vmem>> -> memref<1x64x128xf32, #tpu.memory_space<vmem>>
    %dma_start3A_56 = tpu.memref_squeeze %dma_start3A_55 : memref<1x64x128xf32, #tpu.memory_space<vmem>> -> memref<64x128xf32, #tpu.memory_space<vmem>>
    %dma_start3A_57 = arith.constant 320 : i32
    %dma_start3A_58 = tpu.memref_slice %arg5[%dma_start3A_57] : memref<512xi32, #tpu.memory_space<vmem>> -> memref<64xi32, #tpu.memory_space<vmem>>
    %dma_start3A_59 = arith.constant 0 : i32
    %dma_start3A_60 = arith.constant 0 : i32
    %dma_start3A_61 = tpu.memref_slice %arg2[%dma_start3A_59, %dma_start3A_60] : memref<100000x128xf32, #tpu.memory_space<hbm>> -> memref<100000x128xf32, #tpu.memory_space<hbm>>
    tpu.enqueue_indirect_dma source(%dma_start3A_61 : memref<100000x128xf32, #tpu.memory_space<hbm>>) target(%dma_start3A_56 : memref<64x128xf32, #tpu.memory_space<vmem>>) offsets(%dma_start3A_58 : memref<64xi32, #tpu.memory_space<vmem>>) semaphore(%arg7 : memref<!tpu.dma_semaphore, #tpu.memory_space<semaphore_mem>>)
    %dma_start3A_62 = arith.constant 6 : i32
    %dma_start3A_63 = arith.constant 0 : i32
    %dma_start3A_64 = arith.constant 0 : i32
    %dma_start3A_65 = tpu.memref_slice %arg6[%dma_start3A_62, %dma_start3A_63, %dma_start3A_64] : memref<8x64x128xf32, #tpu.memory_space<vmem>> -> memref<1x64x128xf32, #tpu.memory_space<vmem>>
    %dma_start3A_66 = tpu.memref_squeeze %dma_start3A_65 : memref<1x64x128xf32, #tpu.memory_space<vmem>> -> memref<64x128xf32, #tpu.memory_space<vmem>>
    %dma_start3A_67 = arith.constant 384 : i32
    %dma_start3A_68 = tpu.memref_slice %arg5[%dma_start3A_67] : memref<512xi32, #tpu.memory_space<vmem>> -> memref<64xi32, #tpu.memory_space<vmem>>
    %dma_start3A_69 = arith.constant 0 : i32
    %dma_start3A_70 = arith.constant 0 : i32
    %dma_start3A_71 = tpu.memref_slice %arg2[%dma_start3A_69, %dma_start3A_70] : memref<100000x128xf32, #tpu.memory_space<hbm>> -> memref<100000x128xf32, #tpu.memory_space<hbm>>
    tpu.enqueue_indirect_dma source(%dma_start3A_71 : memref<100000x128xf32, #tpu.memory_space<hbm>>) target(%dma_start3A_66 : memref<64x128xf32, #tpu.memory_space<vmem>>) offsets(%dma_start3A_68 : memref<64xi32, #tpu.memory_space<vmem>>) semaphore(%arg7 : memref<!tpu.dma_semaphore, #tpu.memory_space<semaphore_mem>>)
    %dma_start3A_72 = arith.constant 7 : i32
    %dma_start3A_73 = arith.constant 0 : i32
    %dma_start3A_74 = arith.constant 0 : i32
    %dma_start3A_75 = tpu.memref_slice %arg6[%dma_start3A_72, %dma_start3A_73, %dma_start3A_74] : memref<8x64x128xf32, #tpu.memory_space<vmem>> -> memref<1x64x128xf32, #tpu.memory_space<vmem>>
    %dma_start3A_76 = tpu.memref_squeeze %dma_start3A_75 : memref<1x64x128xf32, #tpu.memory_space<vmem>> -> memref<64x128xf32, #tpu.memory_space<vmem>>
    %dma_start3A_77 = arith.constant 448 : i32
    %dma_start3A_78 = tpu.memref_slice %arg5[%dma_start3A_77] : memref<512xi32, #tpu.memory_space<vmem>> -> memref<64xi32, #tpu.memory_space<vmem>>
    %dma_start3A_79 = arith.constant 0 : i32
    %dma_start3A_80 = arith.constant 0 : i32
    %dma_start3A_81 = tpu.memref_slice %arg2[%dma_start3A_79, %dma_start3A_80] : memref<100000x128xf32, #tpu.memory_space<hbm>> -> memref<100000x128xf32, #tpu.memory_space<hbm>>
    tpu.enqueue_indirect_dma source(%dma_start3A_81 : memref<100000x128xf32, #tpu.memory_space<hbm>>) target(%dma_start3A_76 : memref<64x128xf32, #tpu.memory_space<vmem>>) offsets(%dma_start3A_78 : memref<64xi32, #tpu.memory_space<vmem>>) semaphore(%arg7 : memref<!tpu.dma_semaphore, #tpu.memory_space<semaphore_mem>>)
    %dma_wait3A = arith.constant 0 : i32
    %dma_wait3A_82 = arith.constant 0 : i32
    %dma_wait3A_83 = arith.constant 0 : i32
    %dma_wait3A_84 = tpu.memref_slice %arg6[%dma_wait3A, %dma_wait3A_82, %dma_wait3A_83] : memref<8x64x128xf32, #tpu.memory_space<vmem>> -> memref<1x64x128xf32, #tpu.memory_space<vmem>>
    %dma_wait3A_85 = tpu.memref_squeeze %dma_wait3A_84 : memref<1x64x128xf32, #tpu.memory_space<vmem>> -> memref<64x128xf32, #tpu.memory_space<vmem>>
    %dma_wait3A_86 = arith.constant 0 : i32
    %dma_wait3A_87 = tpu.memref_slice %arg5[%dma_wait3A_86] : memref<512xi32, #tpu.memory_space<vmem>> -> memref<64xi32, #tpu.memory_space<vmem>>
    %dma_wait3A_88 = arith.constant 0 : i32
    %dma_wait3A_89 = arith.constant 0 : i32
    %dma_wait3A_90 = tpu.memref_slice %arg2[%dma_wait3A_88, %dma_wait3A_89] : memref<100000x128xf32, #tpu.memory_space<hbm>> -> memref<100000x128xf32, #tpu.memory_space<hbm>>
    tpu.wait_indirect_dma semaphore(%arg7 : memref<!tpu.dma_semaphore, #tpu.memory_space<semaphore_mem>>) src(%dma_wait3A_90 : memref<100000x128xf32, #tpu.memory_space<hbm>>) dst(%dma_wait3A_85 : memref<64x128xf32, #tpu.memory_space<vmem>>)
    %add3A_91 = arith.constant 0 : i32
    %add3A_92 = arith.addi %mul3A_2, %add3A_91 : i32
    %dma_start3A_93 = arith.constant 0 : i32
    %dma_start3A_94 = arith.constant 0 : i32
    %dma_start3A_95 = arith.constant 0 : i32
    %dma_start3A_96 = tpu.memref_slice %arg6[%dma_start3A_93, %dma_start3A_94, %dma_start3A_95] : memref<8x64x128xf32, #tpu.memory_space<vmem>> -> memref<1x64x128xf32, #tpu.memory_space<vmem>>
    %dma_start3A_97 = tpu.memref_squeeze %dma_start3A_96 : memref<1x64x128xf32, #tpu.memory_space<vmem>> -> memref<64x128xf32, #tpu.memory_space<vmem>>
    %dma_start3A_98 = arith.constant 0 : i32
    %dma_start3A_99 = tpu.memref_slice %arg4[%add3A_92, %dma_start3A_98] : memref<16384x128xf32, #tpu.memory_space<hbm>> -> memref<64x128xf32, #tpu.memory_space<hbm>>
    %dma_start3A_100 = arith.constant 0 : i32
    %dma_start3A_101 = tpu.memref_slice %arg4[%add3A_92, %dma_start3A_100] : memref<16384x128xf32, #tpu.memory_space<hbm>> -> memref<64x128xf32, #tpu.memory_space<hbm>>
    %dma_start3A_102 = arith.constant 0 : i32
    %dma_start3A_103 = arith.constant 0 : i32
    %dma_start3A_104 = tpu.memref_slice %arg6[%dma_start3A_93, %dma_start3A_102, %dma_start3A_103] : memref<8x64x128xf32, #tpu.memory_space<vmem>> -> memref<1x64x128xf32, #tpu.memory_space<vmem>>
    %dma_start3A_105 = tpu.memref_squeeze %dma_start3A_104 : memref<1x64x128xf32, #tpu.memory_space<vmem>> -> memref<64x128xf32, #tpu.memory_space<vmem>>
    tpu.enqueue_dma source(%dma_start3A_105 : memref<64x128xf32, #tpu.memory_space<vmem>>) target(%dma_start3A_101 : memref<64x128xf32, #tpu.memory_space<hbm>>) target_semaphore(%arg8 : memref<!tpu.dma_semaphore, #tpu.memory_space<semaphore_mem>>)
    %dma_wait3A_106 = arith.constant 1 : i32
    %dma_wait3A_107 = arith.constant 0 : i32
    %dma_wait3A_108 = arith.constant 0 : i32
    %dma_wait3A_109 = tpu.memref_slice %arg6[%dma_wait3A_106, %dma_wait3A_107, %dma_wait3A_108] : memref<8x64x128xf32, #tpu.memory_space<vmem>> -> memref<1x64x128xf32, #tpu.memory_space<vmem>>
    %dma_wait3A_110 = tpu.memref_squeeze %dma_wait3A_109 : memref<1x64x128xf32, #tpu.memory_space<vmem>> -> memref<64x128xf32, #tpu.memory_space<vmem>>
    %dma_wait3A_111 = arith.constant 64 : i32
    %dma_wait3A_112 = tpu.memref_slice %arg5[%dma_wait3A_111] : memref<512xi32, #tpu.memory_space<vmem>> -> memref<64xi32, #tpu.memory_space<vmem>>
    %dma_wait3A_113 = arith.constant 0 : i32
    %dma_wait3A_114 = arith.constant 0 : i32
    %dma_wait3A_115 = tpu.memref_slice %arg2[%dma_wait3A_113, %dma_wait3A_114] : memref<100000x128xf32, #tpu.memory_space<hbm>> -> memref<100000x128xf32, #tpu.memory_space<hbm>>
    tpu.wait_indirect_dma semaphore(%arg7 : memref<!tpu.dma_semaphore, #tpu.memory_space<semaphore_mem>>) src(%dma_wait3A_115 : memref<100000x128xf32, #tpu.memory_space<hbm>>) dst(%dma_wait3A_110 : memref<64x128xf32, #tpu.memory_space<vmem>>)
    %add3A_116 = arith.constant 64 : i32
    %add3A_117 = arith.addi %mul3A_2, %add3A_116 : i32
    %dma_start3A_118 = arith.constant 1 : i32
    %dma_start3A_119 = arith.constant 0 : i32
    %dma_start3A_120 = arith.constant 0 : i32
    %dma_start3A_121 = tpu.memref_slice %arg6[%dma_start3A_118, %dma_start3A_119, %dma_start3A_120] : memref<8x64x128xf32, #tpu.memory_space<vmem>> -> memref<1x64x128xf32, #tpu.memory_space<vmem>>
    %dma_start3A_122 = tpu.memref_squeeze %dma_start3A_121 : memref<1x64x128xf32, #tpu.memory_space<vmem>> -> memref<64x128xf32, #tpu.memory_space<vmem>>
    %dma_start3A_123 = arith.constant 0 : i32
    %dma_start3A_124 = tpu.memref_slice %arg4[%add3A_117, %dma_start3A_123] : memref<16384x128xf32, #tpu.memory_space<hbm>> -> memref<64x128xf32, #tpu.memory_space<hbm>>
    %dma_start3A_125 = arith.constant 0 : i32
    %dma_start3A_126 = tpu.memref_slice %arg4[%add3A_117, %dma_start3A_125] : memref<16384x128xf32, #tpu.memory_space<hbm>> -> memref<64x128xf32, #tpu.memory_space<hbm>>
    %dma_start3A_127 = arith.constant 0 : i32
    %dma_start3A_128 = arith.constant 0 : i32
    %dma_start3A_129 = tpu.memref_slice %arg6[%dma_start3A_118, %dma_start3A_127, %dma_start3A_128] : memref<8x64x128xf32, #tpu.memory_space<vmem>> -> memref<1x64x128xf32, #tpu.memory_space<vmem>>
    %dma_start3A_130 = tpu.memref_squeeze %dma_start3A_129 : memref<1x64x128xf32, #tpu.memory_space<vmem>> -> memref<64x128xf32, #tpu.memory_space<vmem>>
    tpu.enqueue_dma source(%dma_start3A_130 : memref<64x128xf32, #tpu.memory_space<vmem>>) target(%dma_start3A_126 : memref<64x128xf32, #tpu.memory_space<hbm>>) target_semaphore(%arg8 : memref<!tpu.dma_semaphore, #tpu.memory_space<semaphore_mem>>)
    %dma_wait3A_131 = arith.constant 2 : i32
    %dma_wait3A_132 = arith.constant 0 : i32
    %dma_wait3A_133 = arith.constant 0 : i32
    %dma_wait3A_134 = tpu.memref_slice %arg6[%dma_wait3A_131, %dma_wait3A_132, %dma_wait3A_133] : memref<8x64x128xf32, #tpu.memory_space<vmem>> -> memref<1x64x128xf32, #tpu.memory_space<vmem>>
    %dma_wait3A_135 = tpu.memref_squeeze %dma_wait3A_134 : memref<1x64x128xf32, #tpu.memory_space<vmem>> -> memref<64x128xf32, #tpu.memory_space<vmem>>
    %dma_wait3A_136 = arith.constant 128 : i32
    %dma_wait3A_137 = tpu.memref_slice %arg5[%dma_wait3A_136] : memref<512xi32, #tpu.memory_space<vmem>> -> memref<64xi32, #tpu.memory_space<vmem>>
    %dma_wait3A_138 = arith.constant 0 : i32
    %dma_wait3A_139 = arith.constant 0 : i32
    %dma_wait3A_140 = tpu.memref_slice %arg2[%dma_wait3A_138, %dma_wait3A_139] : memref<100000x128xf32, #tpu.memory_space<hbm>> -> memref<100000x128xf32, #tpu.memory_space<hbm>>
    tpu.wait_indirect_dma semaphore(%arg7 : memref<!tpu.dma_semaphore, #tpu.memory_space<semaphore_mem>>) src(%dma_wait3A_140 : memref<100000x128xf32, #tpu.memory_space<hbm>>) dst(%dma_wait3A_135 : memref<64x128xf32, #tpu.memory_space<vmem>>)
    %add3A_141 = arith.constant 128 : i32
    %add3A_142 = arith.addi %mul3A_2, %add3A_141 : i32
    %dma_start3A_143 = arith.constant 2 : i32
    %dma_start3A_144 = arith.constant 0 : i32
    %dma_start3A_145 = arith.constant 0 : i32
    %dma_start3A_146 = tpu.memref_slice %arg6[%dma_start3A_143, %dma_start3A_144, %dma_start3A_145] : memref<8x64x128xf32, #tpu.memory_space<vmem>> -> memref<1x64x128xf32, #tpu.memory_space<vmem>>
    %dma_start3A_147 = tpu.memref_squeeze %dma_start3A_146 : memref<1x64x128xf32, #tpu.memory_space<vmem>> -> memref<64x128xf32, #tpu.memory_space<vmem>>
    %dma_start3A_148 = arith.constant 0 : i32
    %dma_start3A_149 = tpu.memref_slice %arg4[%add3A_142, %dma_start3A_148] : memref<16384x128xf32, #tpu.memory_space<hbm>> -> memref<64x128xf32, #tpu.memory_space<hbm>>
    %dma_start3A_150 = arith.constant 0 : i32
    %dma_start3A_151 = tpu.memref_slice %arg4[%add3A_142, %dma_start3A_150] : memref<16384x128xf32, #tpu.memory_space<hbm>> -> memref<64x128xf32, #tpu.memory_space<hbm>>
    %dma_start3A_152 = arith.constant 0 : i32
    %dma_start3A_153 = arith.constant 0 : i32
    %dma_start3A_154 = tpu.memref_slice %arg6[%dma_start3A_143, %dma_start3A_152, %dma_start3A_153] : memref<8x64x128xf32, #tpu.memory_space<vmem>> -> memref<1x64x128xf32, #tpu.memory_space<vmem>>
    %dma_start3A_155 = tpu.memref_squeeze %dma_start3A_154 : memref<1x64x128xf32, #tpu.memory_space<vmem>> -> memref<64x128xf32, #tpu.memory_space<vmem>>
    tpu.enqueue_dma source(%dma_start3A_155 : memref<64x128xf32, #tpu.memory_space<vmem>>) target(%dma_start3A_151 : memref<64x128xf32, #tpu.memory_space<hbm>>) target_semaphore(%arg8 : memref<!tpu.dma_semaphore, #tpu.memory_space<semaphore_mem>>)
    %dma_wait3A_156 = arith.constant 3 : i32
    %dma_wait3A_157 = arith.constant 0 : i32
    %dma_wait3A_158 = arith.constant 0 : i32
    %dma_wait3A_159 = tpu.memref_slice %arg6[%dma_wait3A_156, %dma_wait3A_157, %dma_wait3A_158] : memref<8x64x128xf32, #tpu.memory_space<vmem>> -> memref<1x64x128xf32, #tpu.memory_space<vmem>>
    %dma_wait3A_160 = tpu.memref_squeeze %dma_wait3A_159 : memref<1x64x128xf32, #tpu.memory_space<vmem>> -> memref<64x128xf32, #tpu.memory_space<vmem>>
    %dma_wait3A_161 = arith.constant 192 : i32
    %dma_wait3A_162 = tpu.memref_slice %arg5[%dma_wait3A_161] : memref<512xi32, #tpu.memory_space<vmem>> -> memref<64xi32, #tpu.memory_space<vmem>>
    %dma_wait3A_163 = arith.constant 0 : i32
    %dma_wait3A_164 = arith.constant 0 : i32
    %dma_wait3A_165 = tpu.memref_slice %arg2[%dma_wait3A_163, %dma_wait3A_164] : memref<100000x128xf32, #tpu.memory_space<hbm>> -> memref<100000x128xf32, #tpu.memory_space<hbm>>
    tpu.wait_indirect_dma semaphore(%arg7 : memref<!tpu.dma_semaphore, #tpu.memory_space<semaphore_mem>>) src(%dma_wait3A_165 : memref<100000x128xf32, #tpu.memory_space<hbm>>) dst(%dma_wait3A_160 : memref<64x128xf32, #tpu.memory_space<vmem>>)
    %add3A_166 = arith.constant 192 : i32
    %add3A_167 = arith.addi %mul3A_2, %add3A_166 : i32
    %dma_start3A_168 = arith.constant 3 : i32
    %dma_start3A_169 = arith.constant 0 : i32
    %dma_start3A_170 = arith.constant 0 : i32
    %dma_start3A_171 = tpu.memref_slice %arg6[%dma_start3A_168, %dma_start3A_169, %dma_start3A_170] : memref<8x64x128xf32, #tpu.memory_space<vmem>> -> memref<1x64x128xf32, #tpu.memory_space<vmem>>
    %dma_start3A_172 = tpu.memref_squeeze %dma_start3A_171 : memref<1x64x128xf32, #tpu.memory_space<vmem>> -> memref<64x128xf32, #tpu.memory_space<vmem>>
    %dma_start3A_173 = arith.constant 0 : i32
    %dma_start3A_174 = tpu.memref_slice %arg4[%add3A_167, %dma_start3A_173] : memref<16384x128xf32, #tpu.memory_space<hbm>> -> memref<64x128xf32, #tpu.memory_space<hbm>>
    %dma_start3A_175 = arith.constant 0 : i32
    %dma_start3A_176 = tpu.memref_slice %arg4[%add3A_167, %dma_start3A_175] : memref<16384x128xf32, #tpu.memory_space<hbm>> -> memref<64x128xf32, #tpu.memory_space<hbm>>
    %dma_start3A_177 = arith.constant 0 : i32
    %dma_start3A_178 = arith.constant 0 : i32
    %dma_start3A_179 = tpu.memref_slice %arg6[%dma_start3A_168, %dma_start3A_177, %dma_start3A_178] : memref<8x64x128xf32, #tpu.memory_space<vmem>> -> memref<1x64x128xf32, #tpu.memory_space<vmem>>
    %dma_start3A_180 = tpu.memref_squeeze %dma_start3A_179 : memref<1x64x128xf32, #tpu.memory_space<vmem>> -> memref<64x128xf32, #tpu.memory_space<vmem>>
    tpu.enqueue_dma source(%dma_start3A_180 : memref<64x128xf32, #tpu.memory_space<vmem>>) target(%dma_start3A_176 : memref<64x128xf32, #tpu.memory_space<hbm>>) target_semaphore(%arg8 : memref<!tpu.dma_semaphore, #tpu.memory_space<semaphore_mem>>)
    %dma_wait3A_181 = arith.constant 4 : i32
    %dma_wait3A_182 = arith.constant 0 : i32
    %dma_wait3A_183 = arith.constant 0 : i32
    %dma_wait3A_184 = tpu.memref_slice %arg6[%dma_wait3A_181, %dma_wait3A_182, %dma_wait3A_183] : memref<8x64x128xf32, #tpu.memory_space<vmem>> -> memref<1x64x128xf32, #tpu.memory_space<vmem>>
    %dma_wait3A_185 = tpu.memref_squeeze %dma_wait3A_184 : memref<1x64x128xf32, #tpu.memory_space<vmem>> -> memref<64x128xf32, #tpu.memory_space<vmem>>
    %dma_wait3A_186 = arith.constant 256 : i32
    %dma_wait3A_187 = tpu.memref_slice %arg5[%dma_wait3A_186] : memref<512xi32, #tpu.memory_space<vmem>> -> memref<64xi32, #tpu.memory_space<vmem>>
    %dma_wait3A_188 = arith.constant 0 : i32
    %dma_wait3A_189 = arith.constant 0 : i32
    %dma_wait3A_190 = tpu.memref_slice %arg2[%dma_wait3A_188, %dma_wait3A_189] : memref<100000x128xf32, #tpu.memory_space<hbm>> -> memref<100000x128xf32, #tpu.memory_space<hbm>>
    tpu.wait_indirect_dma semaphore(%arg7 : memref<!tpu.dma_semaphore, #tpu.memory_space<semaphore_mem>>) src(%dma_wait3A_190 : memref<100000x128xf32, #tpu.memory_space<hbm>>) dst(%dma_wait3A_185 : memref<64x128xf32, #tpu.memory_space<vmem>>)
    %add3A_191 = arith.constant 256 : i32
    %add3A_192 = arith.addi %mul3A_2, %add3A_191 : i32
    %dma_start3A_193 = arith.constant 4 : i32
    %dma_start3A_194 = arith.constant 0 : i32
    %dma_start3A_195 = arith.constant 0 : i32
    %dma_start3A_196 = tpu.memref_slice %arg6[%dma_start3A_193, %dma_start3A_194, %dma_start3A_195] : memref<8x64x128xf32, #tpu.memory_space<vmem>> -> memref<1x64x128xf32, #tpu.memory_space<vmem>>
    %dma_start3A_197 = tpu.memref_squeeze %dma_start3A_196 : memref<1x64x128xf32, #tpu.memory_space<vmem>> -> memref<64x128xf32, #tpu.memory_space<vmem>>
    %dma_start3A_198 = arith.constant 0 : i32
    %dma_start3A_199 = tpu.memref_slice %arg4[%add3A_192, %dma_start3A_198] : memref<16384x128xf32, #tpu.memory_space<hbm>> -> memref<64x128xf32, #tpu.memory_space<hbm>>
    %dma_start3A_200 = arith.constant 0 : i32
    %dma_start3A_201 = tpu.memref_slice %arg4[%add3A_192, %dma_start3A_200] : memref<16384x128xf32, #tpu.memory_space<hbm>> -> memref<64x128xf32, #tpu.memory_space<hbm>>
    %dma_start3A_202 = arith.constant 0 : i32
    %dma_start3A_203 = arith.constant 0 : i32
    %dma_start3A_204 = tpu.memref_slice %arg6[%dma_start3A_193, %dma_start3A_202, %dma_start3A_203] : memref<8x64x128xf32, #tpu.memory_space<vmem>> -> memref<1x64x128xf32, #tpu.memory_space<vmem>>
    %dma_start3A_205 = tpu.memref_squeeze %dma_start3A_204 : memref<1x64x128xf32, #tpu.memory_space<vmem>> -> memref<64x128xf32, #tpu.memory_space<vmem>>
    tpu.enqueue_dma source(%dma_start3A_205 : memref<64x128xf32, #tpu.memory_space<vmem>>) target(%dma_start3A_201 : memref<64x128xf32, #tpu.memory_space<hbm>>) target_semaphore(%arg8 : memref<!tpu.dma_semaphore, #tpu.memory_space<semaphore_mem>>)
    %dma_wait3A_206 = arith.constant 5 : i32
    %dma_wait3A_207 = arith.constant 0 : i32
    %dma_wait3A_208 = arith.constant 0 : i32
    %dma_wait3A_209 = tpu.memref_slice %arg6[%dma_wait3A_206, %dma_wait3A_207, %dma_wait3A_208] : memref<8x64x128xf32, #tpu.memory_space<vmem>> -> memref<1x64x128xf32, #tpu.memory_space<vmem>>
    %dma_wait3A_210 = tpu.memref_squeeze %dma_wait3A_209 : memref<1x64x128xf32, #tpu.memory_space<vmem>> -> memref<64x128xf32, #tpu.memory_space<vmem>>
    %dma_wait3A_211 = arith.constant 320 : i32
    %dma_wait3A_212 = tpu.memref_slice %arg5[%dma_wait3A_211] : memref<512xi32, #tpu.memory_space<vmem>> -> memref<64xi32, #tpu.memory_space<vmem>>
    %dma_wait3A_213 = arith.constant 0 : i32
    %dma_wait3A_214 = arith.constant 0 : i32
    %dma_wait3A_215 = tpu.memref_slice %arg2[%dma_wait3A_213, %dma_wait3A_214] : memref<100000x128xf32, #tpu.memory_space<hbm>> -> memref<100000x128xf32, #tpu.memory_space<hbm>>
    tpu.wait_indirect_dma semaphore(%arg7 : memref<!tpu.dma_semaphore, #tpu.memory_space<semaphore_mem>>) src(%dma_wait3A_215 : memref<100000x128xf32, #tpu.memory_space<hbm>>) dst(%dma_wait3A_210 : memref<64x128xf32, #tpu.memory_space<vmem>>)
    %add3A_216 = arith.constant 320 : i32
    %add3A_217 = arith.addi %mul3A_2, %add3A_216 : i32
    %dma_start3A_218 = arith.constant 5 : i32
    %dma_start3A_219 = arith.constant 0 : i32
    %dma_start3A_220 = arith.constant 0 : i32
    %dma_start3A_221 = tpu.memref_slice %arg6[%dma_start3A_218, %dma_start3A_219, %dma_start3A_220] : memref<8x64x128xf32, #tpu.memory_space<vmem>> -> memref<1x64x128xf32, #tpu.memory_space<vmem>>
    %dma_start3A_222 = tpu.memref_squeeze %dma_start3A_221 : memref<1x64x128xf32, #tpu.memory_space<vmem>> -> memref<64x128xf32, #tpu.memory_space<vmem>>
    %dma_start3A_223 = arith.constant 0 : i32
    %dma_start3A_224 = tpu.memref_slice %arg4[%add3A_217, %dma_start3A_223] : memref<16384x128xf32, #tpu.memory_space<hbm>> -> memref<64x128xf32, #tpu.memory_space<hbm>>
    %dma_start3A_225 = arith.constant 0 : i32
    %dma_start3A_226 = tpu.memref_slice %arg4[%add3A_217, %dma_start3A_225] : memref<16384x128xf32, #tpu.memory_space<hbm>> -> memref<64x128xf32, #tpu.memory_space<hbm>>
    %dma_start3A_227 = arith.constant 0 : i32
    %dma_start3A_228 = arith.constant 0 : i32
    %dma_start3A_229 = tpu.memref_slice %arg6[%dma_start3A_218, %dma_start3A_227, %dma_start3A_228] : memref<8x64x128xf32, #tpu.memory_space<vmem>> -> memref<1x64x128xf32, #tpu.memory_space<vmem>>
    %dma_start3A_230 = tpu.memref_squeeze %dma_start3A_229 : memref<1x64x128xf32, #tpu.memory_space<vmem>> -> memref<64x128xf32, #tpu.memory_space<vmem>>
    tpu.enqueue_dma source(%dma_start3A_230 : memref<64x128xf32, #tpu.memory_space<vmem>>) target(%dma_start3A_226 : memref<64x128xf32, #tpu.memory_space<hbm>>) target_semaphore(%arg8 : memref<!tpu.dma_semaphore, #tpu.memory_space<semaphore_mem>>)
    %dma_wait3A_231 = arith.constant 6 : i32
    %dma_wait3A_232 = arith.constant 0 : i32
    %dma_wait3A_233 = arith.constant 0 : i32
    %dma_wait3A_234 = tpu.memref_slice %arg6[%dma_wait3A_231, %dma_wait3A_232, %dma_wait3A_233] : memref<8x64x128xf32, #tpu.memory_space<vmem>> -> memref<1x64x128xf32, #tpu.memory_space<vmem>>
    %dma_wait3A_235 = tpu.memref_squeeze %dma_wait3A_234 : memref<1x64x128xf32, #tpu.memory_space<vmem>> -> memref<64x128xf32, #tpu.memory_space<vmem>>
    %dma_wait3A_236 = arith.constant 384 : i32
    %dma_wait3A_237 = tpu.memref_slice %arg5[%dma_wait3A_236] : memref<512xi32, #tpu.memory_space<vmem>> -> memref<64xi32, #tpu.memory_space<vmem>>
    %dma_wait3A_238 = arith.constant 0 : i32
    %dma_wait3A_239 = arith.constant 0 : i32
    %dma_wait3A_240 = tpu.memref_slice %arg2[%dma_wait3A_238, %dma_wait3A_239] : memref<100000x128xf32, #tpu.memory_space<hbm>> -> memref<100000x128xf32, #tpu.memory_space<hbm>>
    tpu.wait_indirect_dma semaphore(%arg7 : memref<!tpu.dma_semaphore, #tpu.memory_space<semaphore_mem>>) src(%dma_wait3A_240 : memref<100000x128xf32, #tpu.memory_space<hbm>>) dst(%dma_wait3A_235 : memref<64x128xf32, #tpu.memory_space<vmem>>)
    %add3A_241 = arith.constant 384 : i32
    %add3A_242 = arith.addi %mul3A_2, %add3A_241 : i32
    %dma_start3A_243 = arith.constant 6 : i32
    %dma_start3A_244 = arith.constant 0 : i32
    %dma_start3A_245 = arith.constant 0 : i32
    %dma_start3A_246 = tpu.memref_slice %arg6[%dma_start3A_243, %dma_start3A_244, %dma_start3A_245] : memref<8x64x128xf32, #tpu.memory_space<vmem>> -> memref<1x64x128xf32, #tpu.memory_space<vmem>>
    %dma_start3A_247 = tpu.memref_squeeze %dma_start3A_246 : memref<1x64x128xf32, #tpu.memory_space<vmem>> -> memref<64x128xf32, #tpu.memory_space<vmem>>
    %dma_start3A_248 = arith.constant 0 : i32
    %dma_start3A_249 = tpu.memref_slice %arg4[%add3A_242, %dma_start3A_248] : memref<16384x128xf32, #tpu.memory_space<hbm>> -> memref<64x128xf32, #tpu.memory_space<hbm>>
    %dma_start3A_250 = arith.constant 0 : i32
    %dma_start3A_251 = tpu.memref_slice %arg4[%add3A_242, %dma_start3A_250] : memref<16384x128xf32, #tpu.memory_space<hbm>> -> memref<64x128xf32, #tpu.memory_space<hbm>>
    %dma_start3A_252 = arith.constant 0 : i32
    %dma_start3A_253 = arith.constant 0 : i32
    %dma_start3A_254 = tpu.memref_slice %arg6[%dma_start3A_243, %dma_start3A_252, %dma_start3A_253] : memref<8x64x128xf32, #tpu.memory_space<vmem>> -> memref<1x64x128xf32, #tpu.memory_space<vmem>>
    %dma_start3A_255 = tpu.memref_squeeze %dma_start3A_254 : memref<1x64x128xf32, #tpu.memory_space<vmem>> -> memref<64x128xf32, #tpu.memory_space<vmem>>
    tpu.enqueue_dma source(%dma_start3A_255 : memref<64x128xf32, #tpu.memory_space<vmem>>) target(%dma_start3A_251 : memref<64x128xf32, #tpu.memory_space<hbm>>) target_semaphore(%arg8 : memref<!tpu.dma_semaphore, #tpu.memory_space<semaphore_mem>>)
    %dma_wait3A_256 = arith.constant 7 : i32
    %dma_wait3A_257 = arith.constant 0 : i32
    %dma_wait3A_258 = arith.constant 0 : i32
    %dma_wait3A_259 = tpu.memref_slice %arg6[%dma_wait3A_256, %dma_wait3A_257, %dma_wait3A_258] : memref<8x64x128xf32, #tpu.memory_space<vmem>> -> memref<1x64x128xf32, #tpu.memory_space<vmem>>
    %dma_wait3A_260 = tpu.memref_squeeze %dma_wait3A_259 : memref<1x64x128xf32, #tpu.memory_space<vmem>> -> memref<64x128xf32, #tpu.memory_space<vmem>>
    %dma_wait3A_261 = arith.constant 448 : i32
    %dma_wait3A_262 = tpu.memref_slice %arg5[%dma_wait3A_261] : memref<512xi32, #tpu.memory_space<vmem>> -> memref<64xi32, #tpu.memory_space<vmem>>
    %dma_wait3A_263 = arith.constant 0 : i32
    %dma_wait3A_264 = arith.constant 0 : i32
    %dma_wait3A_265 = tpu.memref_slice %arg2[%dma_wait3A_263, %dma_wait3A_264] : memref<100000x128xf32, #tpu.memory_space<hbm>> -> memref<100000x128xf32, #tpu.memory_space<hbm>>
    tpu.wait_indirect_dma semaphore(%arg7 : memref<!tpu.dma_semaphore, #tpu.memory_space<semaphore_mem>>) src(%dma_wait3A_265 : memref<100000x128xf32, #tpu.memory_space<hbm>>) dst(%dma_wait3A_260 : memref<64x128xf32, #tpu.memory_space<vmem>>)
    %add3A_266 = arith.constant 448 : i32
    %add3A_267 = arith.addi %mul3A_2, %add3A_266 : i32
    %dma_start3A_268 = arith.constant 7 : i32
    %dma_start3A_269 = arith.constant 0 : i32
    %dma_start3A_270 = arith.constant 0 : i32
    %dma_start3A_271 = tpu.memref_slice %arg6[%dma_start3A_268, %dma_start3A_269, %dma_start3A_270] : memref<8x64x128xf32, #tpu.memory_space<vmem>> -> memref<1x64x128xf32, #tpu.memory_space<vmem>>
    %dma_start3A_272 = tpu.memref_squeeze %dma_start3A_271 : memref<1x64x128xf32, #tpu.memory_space<vmem>> -> memref<64x128xf32, #tpu.memory_space<vmem>>
    %dma_start3A_273 = arith.constant 0 : i32
    %dma_start3A_274 = tpu.memref_slice %arg4[%add3A_267, %dma_start3A_273] : memref<16384x128xf32, #tpu.memory_space<hbm>> -> memref<64x128xf32, #tpu.memory_space<hbm>>
    %dma_start3A_275 = arith.constant 0 : i32
    %dma_start3A_276 = tpu.memref_slice %arg4[%add3A_267, %dma_start3A_275] : memref<16384x128xf32, #tpu.memory_space<hbm>> -> memref<64x128xf32, #tpu.memory_space<hbm>>
    %dma_start3A_277 = arith.constant 0 : i32
    %dma_start3A_278 = arith.constant 0 : i32
    %dma_start3A_279 = tpu.memref_slice %arg6[%dma_start3A_268, %dma_start3A_277, %dma_start3A_278] : memref<8x64x128xf32, #tpu.memory_space<vmem>> -> memref<1x64x128xf32, #tpu.memory_space<vmem>>
    %dma_start3A_280 = tpu.memref_squeeze %dma_start3A_279 : memref<1x64x128xf32, #tpu.memory_space<vmem>> -> memref<64x128xf32, #tpu.memory_space<vmem>>
    tpu.enqueue_dma source(%dma_start3A_280 : memref<64x128xf32, #tpu.memory_space<vmem>>) target(%dma_start3A_276 : memref<64x128xf32, #tpu.memory_space<hbm>>) target_semaphore(%arg8 : memref<!tpu.dma_semaphore, #tpu.memory_space<semaphore_mem>>)
    %dma_wait3A_281 = arith.constant 0 : i32
    %dma_wait3A_282 = arith.constant 0 : i32
    %dma_wait3A_283 = arith.constant 0 : i32
    %dma_wait3A_284 = tpu.memref_slice %arg6[%dma_wait3A_281, %dma_wait3A_282, %dma_wait3A_283] : memref<8x64x128xf32, #tpu.memory_space<vmem>> -> memref<1x64x128xf32, #tpu.memory_space<vmem>>
    %dma_wait3A_285 = tpu.memref_squeeze %dma_wait3A_284 : memref<1x64x128xf32, #tpu.memory_space<vmem>> -> memref<64x128xf32, #tpu.memory_space<vmem>>
    %dma_wait3A_286 = arith.constant 0 : i32
    %dma_wait3A_287 = tpu.memref_slice %arg4[%add3A_92, %dma_wait3A_286] : memref<16384x128xf32, #tpu.memory_space<hbm>> -> memref<64x128xf32, #tpu.memory_space<hbm>>
    %dma_wait3A_288 = arith.constant 0 : i32
    %dma_wait3A_289 = tpu.memref_slice %arg4[%add3A_92, %dma_wait3A_288] : memref<16384x128xf32, #tpu.memory_space<hbm>> -> memref<64x128xf32, #tpu.memory_space<hbm>>
    %dma_wait3A_290 = arith.constant 0 : i32
    %dma_wait3A_291 = arith.constant 0 : i32
    %dma_wait3A_292 = tpu.memref_slice %arg6[%dma_wait3A_281, %dma_wait3A_290, %dma_wait3A_291] : memref<8x64x128xf32, #tpu.memory_space<vmem>> -> memref<1x64x128xf32, #tpu.memory_space<vmem>>
    %dma_wait3A_293 = tpu.memref_squeeze %dma_wait3A_292 : memref<1x64x128xf32, #tpu.memory_space<vmem>> -> memref<64x128xf32, #tpu.memory_space<vmem>>
    tpu.wait_dma2 semaphore(%arg8 : memref<!tpu.dma_semaphore, #tpu.memory_space<semaphore_mem>>) src(%dma_wait3A_293 : memref<64x128xf32, #tpu.memory_space<vmem>>) dst(%dma_wait3A_289 : memref<64x128xf32, #tpu.memory_space<hbm>>)
    %dma_wait3A_294 = arith.constant 1 : i32
    %dma_wait3A_295 = arith.constant 0 : i32
    %dma_wait3A_296 = arith.constant 0 : i32
    %dma_wait3A_297 = tpu.memref_slice %arg6[%dma_wait3A_294, %dma_wait3A_295, %dma_wait3A_296] : memref<8x64x128xf32, #tpu.memory_space<vmem>> -> memref<1x64x128xf32, #tpu.memory_space<vmem>>
    %dma_wait3A_298 = tpu.memref_squeeze %dma_wait3A_297 : memref<1x64x128xf32, #tpu.memory_space<vmem>> -> memref<64x128xf32, #tpu.memory_space<vmem>>
    %dma_wait3A_299 = arith.constant 0 : i32
    %dma_wait3A_300 = tpu.memref_slice %arg4[%add3A_117, %dma_wait3A_299] : memref<16384x128xf32, #tpu.memory_space<hbm>> -> memref<64x128xf32, #tpu.memory_space<hbm>>
    %dma_wait3A_301 = arith.constant 0 : i32
    %dma_wait3A_302 = tpu.memref_slice %arg4[%add3A_117, %dma_wait3A_301] : memref<16384x128xf32, #tpu.memory_space<hbm>> -> memref<64x128xf32, #tpu.memory_space<hbm>>
    %dma_wait3A_303 = arith.constant 0 : i32
    %dma_wait3A_304 = arith.constant 0 : i32
    %dma_wait3A_305 = tpu.memref_slice %arg6[%dma_wait3A_294, %dma_wait3A_303, %dma_wait3A_304] : memref<8x64x128xf32, #tpu.memory_space<vmem>> -> memref<1x64x128xf32, #tpu.memory_space<vmem>>
    %dma_wait3A_306 = tpu.memref_squeeze %dma_wait3A_305 : memref<1x64x128xf32, #tpu.memory_space<vmem>> -> memref<64x128xf32, #tpu.memory_space<vmem>>
    tpu.wait_dma2 semaphore(%arg8 : memref<!tpu.dma_semaphore, #tpu.memory_space<semaphore_mem>>) src(%dma_wait3A_306 : memref<64x128xf32, #tpu.memory_space<vmem>>) dst(%dma_wait3A_302 : memref<64x128xf32, #tpu.memory_space<hbm>>)
    %dma_wait3A_307 = arith.constant 2 : i32
    %dma_wait3A_308 = arith.constant 0 : i32
    %dma_wait3A_309 = arith.constant 0 : i32
    %dma_wait3A_310 = tpu.memref_slice %arg6[%dma_wait3A_307, %dma_wait3A_308, %dma_wait3A_309] : memref<8x64x128xf32, #tpu.memory_space<vmem>> -> memref<1x64x128xf32, #tpu.memory_space<vmem>>
    %dma_wait3A_311 = tpu.memref_squeeze %dma_wait3A_310 : memref<1x64x128xf32, #tpu.memory_space<vmem>> -> memref<64x128xf32, #tpu.memory_space<vmem>>
    %dma_wait3A_312 = arith.constant 0 : i32
    %dma_wait3A_313 = tpu.memref_slice %arg4[%add3A_142, %dma_wait3A_312] : memref<16384x128xf32, #tpu.memory_space<hbm>> -> memref<64x128xf32, #tpu.memory_space<hbm>>
    %dma_wait3A_314 = arith.constant 0 : i32
    %dma_wait3A_315 = tpu.memref_slice %arg4[%add3A_142, %dma_wait3A_314] : memref<16384x128xf32, #tpu.memory_space<hbm>> -> memref<64x128xf32, #tpu.memory_space<hbm>>
    %dma_wait3A_316 = arith.constant 0 : i32
    %dma_wait3A_317 = arith.constant 0 : i32
    %dma_wait3A_318 = tpu.memref_slice %arg6[%dma_wait3A_307, %dma_wait3A_316, %dma_wait3A_317] : memref<8x64x128xf32, #tpu.memory_space<vmem>> -> memref<1x64x128xf32, #tpu.memory_space<vmem>>
    %dma_wait3A_319 = tpu.memref_squeeze %dma_wait3A_318 : memref<1x64x128xf32, #tpu.memory_space<vmem>> -> memref<64x128xf32, #tpu.memory_space<vmem>>
    tpu.wait_dma2 semaphore(%arg8 : memref<!tpu.dma_semaphore, #tpu.memory_space<semaphore_mem>>) src(%dma_wait3A_319 : memref<64x128xf32, #tpu.memory_space<vmem>>) dst(%dma_wait3A_315 : memref<64x128xf32, #tpu.memory_space<hbm>>)
    %dma_wait3A_320 = arith.constant 3 : i32
    %dma_wait3A_321 = arith.constant 0 : i32
    %dma_wait3A_322 = arith.constant 0 : i32
    %dma_wait3A_323 = tpu.memref_slice %arg6[%dma_wait3A_320, %dma_wait3A_321, %dma_wait3A_322] : memref<8x64x128xf32, #tpu.memory_space<vmem>> -> memref<1x64x128xf32, #tpu.memory_space<vmem>>
    %dma_wait3A_324 = tpu.memref_squeeze %dma_wait3A_323 : memref<1x64x128xf32, #tpu.memory_space<vmem>> -> memref<64x128xf32, #tpu.memory_space<vmem>>
    %dma_wait3A_325 = arith.constant 0 : i32
    %dma_wait3A_326 = tpu.memref_slice %arg4[%add3A_167, %dma_wait3A_325] : memref<16384x128xf32, #tpu.memory_space<hbm>> -> memref<64x128xf32, #tpu.memory_space<hbm>>
    %dma_wait3A_327 = arith.constant 0 : i32
    %dma_wait3A_328 = tpu.memref_slice %arg4[%add3A_167, %dma_wait3A_327] : memref<16384x128xf32, #tpu.memory_space<hbm>> -> memref<64x128xf32, #tpu.memory_space<hbm>>
    %dma_wait3A_329 = arith.constant 0 : i32
    %dma_wait3A_330 = arith.constant 0 : i32
    %dma_wait3A_331 = tpu.memref_slice %arg6[%dma_wait3A_320, %dma_wait3A_329, %dma_wait3A_330] : memref<8x64x128xf32, #tpu.memory_space<vmem>> -> memref<1x64x128xf32, #tpu.memory_space<vmem>>
    %dma_wait3A_332 = tpu.memref_squeeze %dma_wait3A_331 : memref<1x64x128xf32, #tpu.memory_space<vmem>> -> memref<64x128xf32, #tpu.memory_space<vmem>>
    tpu.wait_dma2 semaphore(%arg8 : memref<!tpu.dma_semaphore, #tpu.memory_space<semaphore_mem>>) src(%dma_wait3A_332 : memref<64x128xf32, #tpu.memory_space<vmem>>) dst(%dma_wait3A_328 : memref<64x128xf32, #tpu.memory_space<hbm>>)
    %dma_wait3A_333 = arith.constant 4 : i32
    %dma_wait3A_334 = arith.constant 0 : i32
    %dma_wait3A_335 = arith.constant 0 : i32
    %dma_wait3A_336 = tpu.memref_slice %arg6[%dma_wait3A_333, %dma_wait3A_334, %dma_wait3A_335] : memref<8x64x128xf32, #tpu.memory_space<vmem>> -> memref<1x64x128xf32, #tpu.memory_space<vmem>>
    %dma_wait3A_337 = tpu.memref_squeeze %dma_wait3A_336 : memref<1x64x128xf32, #tpu.memory_space<vmem>> -> memref<64x128xf32, #tpu.memory_space<vmem>>
    %dma_wait3A_338 = arith.constant 0 : i32
    %dma_wait3A_339 = tpu.memref_slice %arg4[%add3A_192, %dma_wait3A_338] : memref<16384x128xf32, #tpu.memory_space<hbm>> -> memref<64x128xf32, #tpu.memory_space<hbm>>
    %dma_wait3A_340 = arith.constant 0 : i32
    %dma_wait3A_341 = tpu.memref_slice %arg4[%add3A_192, %dma_wait3A_340] : memref<16384x128xf32, #tpu.memory_space<hbm>> -> memref<64x128xf32, #tpu.memory_space<hbm>>
    %dma_wait3A_342 = arith.constant 0 : i32
    %dma_wait3A_343 = arith.constant 0 : i32
    %dma_wait3A_344 = tpu.memref_slice %arg6[%dma_wait3A_333, %dma_wait3A_342, %dma_wait3A_343] : memref<8x64x128xf32, #tpu.memory_space<vmem>> -> memref<1x64x128xf32, #tpu.memory_space<vmem>>
    %dma_wait3A_345 = tpu.memref_squeeze %dma_wait3A_344 : memref<1x64x128xf32, #tpu.memory_space<vmem>> -> memref<64x128xf32, #tpu.memory_space<vmem>>
    tpu.wait_dma2 semaphore(%arg8 : memref<!tpu.dma_semaphore, #tpu.memory_space<semaphore_mem>>) src(%dma_wait3A_345 : memref<64x128xf32, #tpu.memory_space<vmem>>) dst(%dma_wait3A_341 : memref<64x128xf32, #tpu.memory_space<hbm>>)
    %dma_wait3A_346 = arith.constant 5 : i32
    %dma_wait3A_347 = arith.constant 0 : i32
    %dma_wait3A_348 = arith.constant 0 : i32
    %dma_wait3A_349 = tpu.memref_slice %arg6[%dma_wait3A_346, %dma_wait3A_347, %dma_wait3A_348] : memref<8x64x128xf32, #tpu.memory_space<vmem>> -> memref<1x64x128xf32, #tpu.memory_space<vmem>>
    %dma_wait3A_350 = tpu.memref_squeeze %dma_wait3A_349 : memref<1x64x128xf32, #tpu.memory_space<vmem>> -> memref<64x128xf32, #tpu.memory_space<vmem>>
    %dma_wait3A_351 = arith.constant 0 : i32
    %dma_wait3A_352 = tpu.memref_slice %arg4[%add3A_217, %dma_wait3A_351] : memref<16384x128xf32, #tpu.memory_space<hbm>> -> memref<64x128xf32, #tpu.memory_space<hbm>>
    %dma_wait3A_353 = arith.constant 0 : i32
    %dma_wait3A_354 = tpu.memref_slice %arg4[%add3A_217, %dma_wait3A_353] : memref<16384x128xf32, #tpu.memory_space<hbm>> -> memref<64x128xf32, #tpu.memory_space<hbm>>
    %dma_wait3A_355 = arith.constant 0 : i32
    %dma_wait3A_356 = arith.constant 0 : i32
    %dma_wait3A_357 = tpu.memref_slice %arg6[%dma_wait3A_346, %dma_wait3A_355, %dma_wait3A_356] : memref<8x64x128xf32, #tpu.memory_space<vmem>> -> memref<1x64x128xf32, #tpu.memory_space<vmem>>
    %dma_wait3A_358 = tpu.memref_squeeze %dma_wait3A_357 : memref<1x64x128xf32, #tpu.memory_space<vmem>> -> memref<64x128xf32, #tpu.memory_space<vmem>>
    tpu.wait_dma2 semaphore(%arg8 : memref<!tpu.dma_semaphore, #tpu.memory_space<semaphore_mem>>) src(%dma_wait3A_358 : memref<64x128xf32, #tpu.memory_space<vmem>>) dst(%dma_wait3A_354 : memref<64x128xf32, #tpu.memory_space<hbm>>)
    %dma_wait3A_359 = arith.constant 6 : i32
    %dma_wait3A_360 = arith.constant 0 : i32
    %dma_wait3A_361 = arith.constant 0 : i32
    %dma_wait3A_362 = tpu.memref_slice %arg6[%dma_wait3A_359, %dma_wait3A_360, %dma_wait3A_361] : memref<8x64x128xf32, #tpu.memory_space<vmem>> -> memref<1x64x128xf32, #tpu.memory_space<vmem>>
    %dma_wait3A_363 = tpu.memref_squeeze %dma_wait3A_362 : memref<1x64x128xf32, #tpu.memory_space<vmem>> -> memref<64x128xf32, #tpu.memory_space<vmem>>
    %dma_wait3A_364 = arith.constant 0 : i32
    %dma_wait3A_365 = tpu.memref_slice %arg4[%add3A_242, %dma_wait3A_364] : memref<16384x128xf32, #tpu.memory_space<hbm>> -> memref<64x128xf32, #tpu.memory_space<hbm>>
    %dma_wait3A_366 = arith.constant 0 : i32
    %dma_wait3A_367 = tpu.memref_slice %arg4[%add3A_242, %dma_wait3A_366] : memref<16384x128xf32, #tpu.memory_space<hbm>> -> memref<64x128xf32, #tpu.memory_space<hbm>>
    %dma_wait3A_368 = arith.constant 0 : i32
    %dma_wait3A_369 = arith.constant 0 : i32
    %dma_wait3A_370 = tpu.memref_slice %arg6[%dma_wait3A_359, %dma_wait3A_368, %dma_wait3A_369] : memref<8x64x128xf32, #tpu.memory_space<vmem>> -> memref<1x64x128xf32, #tpu.memory_space<vmem>>
    %dma_wait3A_371 = tpu.memref_squeeze %dma_wait3A_370 : memref<1x64x128xf32, #tpu.memory_space<vmem>> -> memref<64x128xf32, #tpu.memory_space<vmem>>
    tpu.wait_dma2 semaphore(%arg8 : memref<!tpu.dma_semaphore, #tpu.memory_space<semaphore_mem>>) src(%dma_wait3A_371 : memref<64x128xf32, #tpu.memory_space<vmem>>) dst(%dma_wait3A_367 : memref<64x128xf32, #tpu.memory_space<hbm>>)
    %dma_wait3A_372 = arith.constant 7 : i32
    %dma_wait3A_373 = arith.constant 0 : i32
    %dma_wait3A_374 = arith.constant 0 : i32
    %dma_wait3A_375 = tpu.memref_slice %arg6[%dma_wait3A_372, %dma_wait3A_373, %dma_wait3A_374] : memref<8x64x128xf32, #tpu.memory_space<vmem>> -> memref<1x64x128xf32, #tpu.memory_space<vmem>>
    %dma_wait3A_376 = tpu.memref_squeeze %dma_wait3A_375 : memref<1x64x128xf32, #tpu.memory_space<vmem>> -> memref<64x128xf32, #tpu.memory_space<vmem>>
    %dma_wait3A_377 = arith.constant 0 : i32
    %dma_wait3A_378 = tpu.memref_slice %arg4[%add3A_267, %dma_wait3A_377] : memref<16384x128xf32, #tpu.memory_space<hbm>> -> memref<64x128xf32, #tpu.memory_space<hbm>>
    %dma_wait3A_379 = arith.constant 0 : i32
    %dma_wait3A_380 = tpu.memref_slice %arg4[%add3A_267, %dma_wait3A_379] : memref<16384x128xf32, #tpu.memory_space<hbm>> -> memref<64x128xf32, #tpu.memory_space<hbm>>
    %dma_wait3A_381 = arith.constant 0 : i32
    %dma_wait3A_382 = arith.constant 0 : i32
    %dma_wait3A_383 = tpu.memref_slice %arg6[%dma_wait3A_372, %dma_wait3A_381, %dma_wait3A_382] : memref<8x64x128xf32, #tpu.memory_space<vmem>> -> memref<1x64x128xf32, #tpu.memory_space<vmem>>
    %dma_wait3A_384 = tpu.memref_squeeze %dma_wait3A_383 : memref<1x64x128xf32, #tpu.memory_space<vmem>> -> memref<64x128xf32, #tpu.memory_space<vmem>>
    tpu.wait_dma2 semaphore(%arg8 : memref<!tpu.dma_semaphore, #tpu.memory_space<semaphore_mem>>) src(%dma_wait3A_384 : memref<64x128xf32, #tpu.memory_space<vmem>>) dst(%dma_wait3A_380 : memref<64x128xf32, #tpu.memory_space<hbm>>)
    return
  }
}

module attributes {stable_mosaic.version = 14 : i64} {
  func.func @_mlp_body(%arg0: i32, %arg1: memref<4096x200xf32, #tpu.memory_space<vmem>>, %arg2: memref<4096x128xf32, #tpu.memory_space<vmem>>, %arg3: memref<200x128xf32, #tpu.memory_space<vmem>>, %arg4: memref<1x128xf32, #tpu.memory_space<vmem>>, %arg5: memref<128x128xf32, #tpu.memory_space<vmem>>, %arg6: memref<1x128xf32, #tpu.memory_space<vmem>>, %arg7: memref<128x10xf32, #tpu.memory_space<vmem>>, %arg8: memref<1x10xf32, #tpu.memory_space<vmem>>, %arg9: memref<10x4096xf32, #tpu.memory_space<vmem>>) attributes {dimension_semantics = [#tpu.dimension_semantics<arbitrary>], iteration_bounds = array<i64: 4>, scalar_prefetch = 0 : i64, scratch_operands = 0 : i64, tpu.core_type = #tpu.core_type<tc>, window_params = [{transform_indices = @transform_0, window_bounds = array<i64: 4096, 200>}, {transform_indices = @transform_1, window_bounds = array<i64: 4096, 128>}, {pipeline_mode = #tpu.pipeline_mode<synchronous>, transform_indices = @transform_2, window_bounds = array<i64: 200, 128>}, {pipeline_mode = #tpu.pipeline_mode<synchronous>, transform_indices = @transform_3, window_bounds = array<i64: 1, 128>}, {pipeline_mode = #tpu.pipeline_mode<synchronous>, transform_indices = @transform_4, window_bounds = array<i64: 128, 128>}, {pipeline_mode = #tpu.pipeline_mode<synchronous>, transform_indices = @transform_5, window_bounds = array<i64: 1, 128>}, {pipeline_mode = #tpu.pipeline_mode<synchronous>, transform_indices = @transform_6, window_bounds = array<i64: 128, 10>}, {pipeline_mode = #tpu.pipeline_mode<synchronous>, transform_indices = @transform_7, window_bounds = array<i64: 1, 10>}, {transform_indices = @transform_8, window_bounds = array<i64: 10, 4096>}]} {
    %get3A = arith.constant 0 : index
    %get3A_0 = arith.constant 0 : index
    %get3A_1 = vector.load %arg1[%get3A, %get3A_0] : memref<4096x200xf32, #tpu.memory_space<vmem>>, vector<4096x200xf32>
    %convert_element_type3A = arith.truncf %get3A_1 : vector<4096x200xf32> to vector<4096x200xbf16>
    %get3A_2 = arith.constant 0 : index
    %get3A_3 = arith.constant 0 : index
    %get3A_4 = vector.load %arg3[%get3A_2, %get3A_3] : memref<200x128xf32, #tpu.memory_space<vmem>>, vector<200x128xf32>
    %convert_element_type3A_5 = arith.truncf %get3A_4 : vector<200x128xf32> to vector<200x128xbf16>
    %dot_general3A = arith.constant dense<0.000000e+00> : vector<4096x128xf32>
    %dot_general3A_6 = tpu.matmul %convert_element_type3A, %convert_element_type3A_5, %dot_general3A {dimension_numbers = #tpu.dot_dimension_numbers<[1], [0], [0], [1], [0, 0, 1, 1], [], []>, transpose_lhs_hint = false} : vector<4096x200xbf16>, vector<200x128xbf16>, vector<4096x128xf32> -> vector<4096x128xf32>
    %get3A_7 = arith.constant 0 : index
    %get3A_8 = arith.constant 0 : index
    %get3A_9 = vector.load %arg4[%get3A_7, %get3A_8] : memref<1x128xf32, #tpu.memory_space<vmem>>, vector<1x128xf32>
    %add3A = vector.broadcast %get3A_9 : vector<1x128xf32> to vector<4096x128xf32>
    %add3A_10 = arith.addf %dot_general3A_6, %add3A : vector<4096x128xf32>
    %max3A = arith.constant 0.000000e+00 : f32
    %max3A_11 = vector.broadcast %max3A : f32 to vector<4096x128xf32>
    %max3A_12 = arith.maximumf %add3A_10, %max3A_11 : vector<4096x128xf32>
    %get3A_13 = arith.constant 0 : index
    %get3A_14 = arith.constant 0 : index
    %get3A_15 = vector.load %arg2[%get3A_13, %get3A_14] : memref<4096x128xf32, #tpu.memory_space<vmem>>, vector<4096x128xf32>
    %logistic3A = arith.negf %get3A_15 : vector<4096x128xf32>
    %logistic3A_16 = math.exp %logistic3A : vector<4096x128xf32>
    %logistic3A_17 = arith.constant 1.000000e+00 : f32
    %logistic3A_18 = vector.broadcast %logistic3A_17 : f32 to vector<4096x128xf32>
    %logistic3A_19 = arith.addf %logistic3A_18, %logistic3A_16 : vector<4096x128xf32>
    %logistic3A_20 = arith.divf %logistic3A_18, %logistic3A_19 : vector<4096x128xf32>
    %mul3A = arith.mulf %max3A_12, %logistic3A_20 : vector<4096x128xf32>
    %convert_element_type3A_21 = arith.truncf %mul3A : vector<4096x128xf32> to vector<4096x128xbf16>
    %get3A_22 = arith.constant 0 : index
    %get3A_23 = arith.constant 0 : index
    %get3A_24 = vector.load %arg5[%get3A_22, %get3A_23] : memref<128x128xf32, #tpu.memory_space<vmem>>, vector<128x128xf32>
    %convert_element_type3A_25 = arith.truncf %get3A_24 : vector<128x128xf32> to vector<128x128xbf16>
    %dot_general3A_26 = arith.constant dense<0.000000e+00> : vector<4096x128xf32>
    %dot_general3A_27 = tpu.matmul %convert_element_type3A_21, %convert_element_type3A_25, %dot_general3A_26 {dimension_numbers = #tpu.dot_dimension_numbers<[1], [0], [0], [1], [0, 0, 1, 1], [], []>, transpose_lhs_hint = false} : vector<4096x128xbf16>, vector<128x128xbf16>, vector<4096x128xf32> -> vector<4096x128xf32>
    %get3A_28 = arith.constant 0 : index
    %get3A_29 = arith.constant 0 : index
    %get3A_30 = vector.load %arg6[%get3A_28, %get3A_29] : memref<1x128xf32, #tpu.memory_space<vmem>>, vector<1x128xf32>
    %add3A_31 = vector.broadcast %get3A_30 : vector<1x128xf32> to vector<4096x128xf32>
    %add3A_32 = arith.addf %dot_general3A_27, %add3A_31 : vector<4096x128xf32>
    %max3A_33 = arith.constant 0.000000e+00 : f32
    %max3A_34 = vector.broadcast %max3A_33 : f32 to vector<4096x128xf32>
    %max3A_35 = arith.maximumf %add3A_32, %max3A_34 : vector<4096x128xf32>
    %convert_element_type3A_36 = arith.truncf %max3A_35 : vector<4096x128xf32> to vector<4096x128xbf16>
    %get3A_37 = arith.constant 0 : index
    %get3A_38 = arith.constant 0 : index
    %get3A_39 = vector.load %arg7[%get3A_37, %get3A_38] : memref<128x10xf32, #tpu.memory_space<vmem>>, vector<128x10xf32>
    %convert_element_type3A_40 = arith.truncf %get3A_39 : vector<128x10xf32> to vector<128x10xbf16>
    %dot_general3A_41 = arith.constant dense<0.000000e+00> : vector<4096x10xf32>
    %dot_general3A_42 = tpu.matmul %convert_element_type3A_36, %convert_element_type3A_40, %dot_general3A_41 {dimension_numbers = #tpu.dot_dimension_numbers<[1], [0], [0], [1], [0, 0, 1, 1], [], []>, transpose_lhs_hint = false} : vector<4096x128xbf16>, vector<128x10xbf16>, vector<4096x10xf32> -> vector<4096x10xf32>
    %get3A_43 = arith.constant 0 : index
    %get3A_44 = arith.constant 0 : index
    %get3A_45 = vector.load %arg8[%get3A_43, %get3A_44] : memref<1x10xf32, #tpu.memory_space<vmem>>, vector<1x10xf32>
    %add3A_46 = vector.broadcast %get3A_45 : vector<1x10xf32> to vector<4096x10xf32>
    %add3A_47 = arith.addf %dot_general3A_42, %add3A_46 : vector<4096x10xf32>
    %transpose3A = tpu.transpose %add3A_47, [1, 0] : vector<4096x10xf32> -> vector<10x4096xf32>
    %swap3A = arith.constant 0 : index
    %swap3A_48 = arith.constant 0 : index
    %swap3A_49 = vector.load %arg9[%swap3A, %swap3A_48] : memref<10x4096xf32, #tpu.memory_space<vmem>>, vector<10x4096xf32>
    tpu.vector_store %arg9[%swap3A, %swap3A_48], %transpose3A {strides = array<i32>} : memref<10x4096xf32, #tpu.memory_space<vmem>>, vector<10x4096xf32>,
    return
  }
  func.func @transform_0(%arg0: i32) -> (i32, i32) {
    %c0_i32 = arith.constant 0 : i32
    %c0_i32_0 = arith.constant 0 : i32
    return %arg0, %c0_i32 : i32, i32
  }
  func.func @transform_1(%arg0: i32) -> (i32, i32) {
    %c0_i32 = arith.constant 0 : i32
    %c0_i32_0 = arith.constant 0 : i32
    return %arg0, %c0_i32 : i32, i32
  }
  func.func @transform_2(%arg0: i32) -> (i32, i32) {
    %c0_i32 = arith.constant 0 : i32
    %c0_i32_0 = arith.constant 0 : i32
    %c0_i32_1 = arith.constant 0 : i32
    return %c0_i32, %c0_i32_0 : i32, i32
  }
  func.func @transform_3(%arg0: i32) -> (i32, i32) {
    %c0_i32 = arith.constant 0 : i32
    %c0_i32_0 = arith.constant 0 : i32
    %c0_i32_1 = arith.constant 0 : i32
    return %c0_i32, %c0_i32_0 : i32, i32
  }
  func.func @transform_4(%arg0: i32) -> (i32, i32) {
    %c0_i32 = arith.constant 0 : i32
    %c0_i32_0 = arith.constant 0 : i32
    %c0_i32_1 = arith.constant 0 : i32
    return %c0_i32, %c0_i32_0 : i32, i32
  }
  func.func @transform_5(%arg0: i32) -> (i32, i32) {
    %c0_i32 = arith.constant 0 : i32
    %c0_i32_0 = arith.constant 0 : i32
    %c0_i32_1 = arith.constant 0 : i32
    return %c0_i32, %c0_i32_0 : i32, i32
  }
  func.func @transform_6(%arg0: i32) -> (i32, i32) {
    %c0_i32 = arith.constant 0 : i32
    %c0_i32_0 = arith.constant 0 : i32
    %c0_i32_1 = arith.constant 0 : i32
    return %c0_i32, %c0_i32_0 : i32, i32
  }
  func.func @transform_7(%arg0: i32) -> (i32, i32) {
    %c0_i32 = arith.constant 0 : i32
    %c0_i32_0 = arith.constant 0 : i32
    %c0_i32_1 = arith.constant 0 : i32
    return %c0_i32, %c0_i32_0 : i32, i32
  }
  func.func @transform_8(%arg0: i32) -> (i32, i32) {
    %c0_i32 = arith.constant 0 : i32
    %c0_i32_0 = arith.constant 0 : i32
    return %c0_i32, %arg0 : i32, i32
  }
}

</mosaic_0001>

<sc_bundles>
// kernel: kernel.4.cloned.1.call-start
scs
__scs_entry_jumppad:
0x0: {  	(pc) =	sbr.rel $0x88, $3  }
0x1: {  	(tag) =	ssettag $0x0;
	lr =	simm.s32 $0x1  }
0x2: {  	[smem:$0x3F98] =	sst lr;
	_ =	strace $0xD0000000  }
0x3: {  	_ = 	snop  }
0x4: {  	_ = 	snop  }
0x5: {  	_ = 	snop  }
0x6: {  	_ = 	snop  }
0x7: {  	_ = 	snop  }
__scs_overlays_trampoline_lowered:
0x8: {  	[smem:$0x3FA7] =	sst s0  }
0x9: {  	[smem:$0x3FA8] =	sst s1  }
0xa: {  	[smem:$0x3FA9] =	sst s2  }
0xb: {  	[smem:$0x3FAA] =	sst s3  }
0xc: {  	[smem:$0x3FAB] =	sst s4  }
0xd: {  	[smem:$0x3FAC] =	sst s5  }
0xe: {  	[smem:$0x3FAD] =	sst s6  }
0xf: {  	[smem:$0x3FAE] =	sst s7  }
0x10: {  	[smem:$0x3FAF] =	sst s8  }
0x11: {  	[smem:$0x3FB0] =	sst s9;
	s0 =	simm.s32 @!p0 $0x0  }
0x12: {  	s1 =	sld [smem:$0x3F96];
	s0 =	simm.s32 @p0 $0x1  }
0x13: {  	[smem:$0x3FB1] =	sst s0;
	s0 =	simm.s32 @!p1 $0x0  }
0x14: {  	s2 =	sld [smem:$0x3F95];
	s0 =	simm.s32 @p1 $0x1  }
0x15: {  	[smem:$0x3FB2] =	sst s0;
	s0 =	simm.s32 @!p2 $0x0  }
0x16: {  	s3 =	sld [smem:$0x3FDB];
	s0 =	simm.s32 @p2 $0x1  }
0x17: {  	s4 =	simm.s32 $0x1BF5;
	[smem:$0x3FB4] =	sst s0  }
0x18: {  	s0 =	sld [smem:$0x3F97];
	_ =	swait.ge [sflag:s4], $0x0  }
0x19: {  	s7 =	sld [smem:$0x3F98]  }
0x1a: {  	s8 =	sadd.s32 $0xFFFFE003, lr  }
0x1b: {  	s9 =	sadd.s32 $0xFFFFFEF7, lr;
	s5 =	simm.s32 $0xFFFFFFFF;
	p2 =	slt.u32 s8, $0xFFFFF086  }
0x1c: {  	p1 =	slt.u32 s9, $0xF7A;
	s5 =	simm.s32 @!p2 $0x0  }
0x1d: {  	s5 =	simm.s32 @p1 $0x1;
	p0 =	seq.s32 s7, s2  }
0x1e: {  	s7 =	smul.u32 @!p0 $0xF7A, s2;
	p2 =	seq.s32 @!p0 s5, $0x0  }
0x1f: {  	s9 =	smul.u32 $0xF7A, s1;
	s8 =	simm.s32 @!p0 $0x1BF5;
	p2 =	por !p2, p0  }
0x20: {  	[sflag:s8] =	ssyncset.s32 @!p0 $0xFFFFF086;
	s6 =	sadd.s32 @!p0 s3, s7;
	s7 =	simm.s32 @!p0 $0x108  }
0x21: {  	s3 =	sadd.s32 s3, s9;
	s6 =	sadd.s32 @!p0 $0x88, s6;
	s7 =	simm.s32 @p2 $0x1082  }
0x22: {  	[simem:s7], [sflag:s8] =	dma.local @!p0 [hbm:s6], $0xF7A  }
0x23: {  	s9 =	sor.u32 $0xD0000000, s2;
	s6 =	simm.s32 $0x108;
	_ =	swait.ge @!p0 [sflag:s8], $0x0  }
0x24: {  	s3 =	sadd.s32 $0x88, s3;
	s6 =	simm.s32 @!p1 $0x1082;
	[sflag:s4] =	ssyncset.s32 $0xFFFFF086  }
0x25: {  	[simem:s6], [sflag:s4] =	dma.local [hbm:s3], $0xF7A  }
0x26: {  	[smem:$0x3F98] =	sst s1;
	(tag) =	ssettag s2;
	_ =	strace s9  }
0x27: {  	s1 =	sld [smem:$0x3FA8]  }
0x28: {  	s2 =	sld [smem:$0x3FA9]  }
0x29: {  	s4 =	sld [smem:$0x3FAB]  }
0x2a: {  	p0 =	seq.s32 s5, $0x0;
	s5 =	sld [smem:$0x3FAC]  }
0x2b: {  	s6 =	sld [smem:$0x3FAD]  }
0x2c: {  	s7 =	sld [smem:$0x3FAE]  }
0x2d: {  	s3 =	simm.s32 $0x108;
	s8 =	sld [smem:$0x3FAF]  }
0x2e: {  	s3 =	simm.s32 @!p0 $0x1082;
	s9 =	sld [smem:$0x3FB0]  }
0x2f: {  	lr =	sadd.s32 s0, s3;
	s0 =	sld [smem:$0x3FA7]  }
0x30: {  	s3 =	sld [smem:$0x3FAA]  }
0x31: {  	[smem:$0x3FB3] =	sst s10  }
0x32: {  	s10 =	sld [smem:$0x3FB1];
	_ =	sdelay $0x3  }
0x33: {  	p0 =	seq.s32 s10, $0x1;
	s10 =	sld [smem:$0x3FB3];
	_ =	sdelay $0x3  }
0x34: {  	[smem:$0x3FB3] =	sst s10  }
0x35: {  	s10 =	sld [smem:$0x3FB2];
	_ =	sdelay $0x3  }
0x36: {  	p1 =	seq.s32 s10, $0x1;
	s10 =	sld [smem:$0x3FB3];
	_ =	sdelay $0x3  }
0x37: {  	[smem:$0x3FB3] =	sst s10  }
0x38: {  	s10 =	sld [smem:$0x3FB4]  }
0x39: {  	_ = 	snop;
	(pc) =	sbr.ind lr, $3  }
0x3a: {  	_ = 	snop  }
0x3b: {  	_ = 	snop  }
0x3c: {  	p2 =	seq.s32 s10, $0x1;
	s10 =	sld [smem:$0x3FB3]  }
0x3d: {  	_ =	shalt  }
0x3e: {  	_ =	shalt  }
0x3f: {  	_ =	shalt  }
0x40: {  	_ =	shalt  }
0x41: {  	_ =	shalt  }
0x42: {  	_ =	shalt  }
0x43: {  	_ =	shalt  }
0x44: {  	_ =	shalt  }
0x45: {  	_ =	shalt  }
0x46: {  	_ =	shalt  }
0x47: {  	_ =	shalt  }
0x48: {  	_ =	shalt  }
0x49: {  	_ =	shalt  }
0x4a: {  	_ =	shalt  }
0x4b: {  	_ =	shalt  }
0x4c: {  	_ =	shalt  }
0x4d: {  	_ =	shalt  }
0x4e: {  	_ =	shalt  }
0x4f: {  	_ =	shalt  }
0x50: {  	_ =	shalt  }
0x51: {  	_ =	shalt  }
0x52: {  	_ =	shalt  }
0x53: {  	_ =	shalt  }
0x54: {  	_ =	shalt  }
0x55: {  	_ =	shalt  }
0x56: {  	_ =	shalt  }
0x57: {  	_ =	shalt  }
0x58: {  	_ =	shalt  }
0x59: {  	_ =	shalt  }
0x5a: {  	_ =	shalt  }
0x5b: {  	_ =	shalt  }
0x5c: {  	_ =	shalt  }
0x5d: {  	_ =	shalt  }
0x5e: {  	_ =	shalt  }
0x5f: {  	_ =	shalt  }
0x60: {  	_ =	shalt  }
0x61: {  	_ =	shalt  }
0x62: {  	_ =	shalt  }
0x63: {  	_ =	shalt  }
0x64: {  	_ =	shalt  }
0x65: {  	_ =	shalt  }
0x66: {  	_ =	shalt  }
0x67: {  	_ =	shalt  }
0x68: {  	_ =	shalt  }
0x69: {  	_ =	shalt  }
0x6a: {  	_ =	shalt  }
0x6b: {  	_ =	shalt  }
0x6c: {  	_ =	shalt  }
0x6d: {  	_ =	shalt  }
0x6e: {  	_ =	shalt  }
0x6f: {  	_ =	shalt  }
0x70: {  	_ =	shalt  }
0x71: {  	_ =	shalt  }
0x72: {  	_ =	shalt  }
0x73: {  	_ =	shalt  }
0x74: {  	_ =	shalt  }
0x75: {  	_ =	shalt  }
0x76: {  	_ =	shalt  }
0x77: {  	_ =	shalt  }
0x78: {  	_ =	shalt  }
0x79: {  	_ =	shalt  }
0x7a: {  	_ =	shalt  }
0x7b: {  	_ =	shalt  }
0x7c: {  	_ =	shalt  }
0x7d: {  	_ =	shalt  }
0x7e: {  	_ =	shalt  }
0x7f: {  	_ =	shalt  }
0x80: {  	_ =	shalt  }
0x81: {  	_ =	shalt  }
0x82: {  	_ =	shalt  }
0x83: {  	_ =	shalt  }
0x84: {  	_ =	shalt  }
0x85: {  	_ =	shalt  }
0x86: {  	_ =	shalt  }
0x87: {  	_ =	shalt  }
.Lfunc_end0:
.L_simem_size_0:
called_computation_lowered:
.L_overlay_start_0:
0x88: {  	s2 =	sld [smem:$0x3FD9]  }
0x89: {  	s3 =	sld [smem:$0x3FFE];
	_ =	sdelay $0x1  }
0x8a: {  	s1 =	srdreg.scid  }
0x8b: {  	s0 =	sand.u32 $0x1, s1  }
0x8c: {  	s17 =	sshll.u32 s0, $0xA;
	s2 =	sadd.s32 s3, s2  }
0x8d: {  	s2 =	sadd.s32 s2, s17  }
0x8e: {  	[smem:$0x3FBF] =	sst s2  }
0x8f: {  	_ = 	snop  }
0x90: {  	s2 =	sld [smem:$0x3FC8]  }
0x91: {  	s18 =	sld [smem:$0x3FC7];
	(tm) =	ssettm $0x1  }
0x92: {  	s4 =	sld [smem:$0x3FFB];
	_ =	sdelay $0x3  }
0x93: {  	_ =	strace s4  }
0x94: {  	s4 =	sld [smem:$0x3FFC];
	_ =	sdelay $0x3  }
0x95: {  	_ =	strace s4  }
0x96: {  	s4 =	sld [smem:$0x3FFD];
	_ =	sdelay $0x3  }
0x97: {  	_ =	strace s4  }
0x98: {  	_ =	strace $0x8FFFFFFF  }
0x99: {  	s19 =	sld [smem:$0x3FDB];
	_ =	sdelay $0x1  }
0x9a: {  	s5 =	simm.s32 $_scs_section_size  }
0x9b: {  	s6 =	simm.s32 $_size__tile_overlayer_lowered;
	s7 =	simm.s32 $_tile_overlayer_lowered  }
0x9c: {  	s22 =	simm.s32 $0x1BFF;
	s21 =	sshll.u32 s7, $0x1;
	s4 =	sadd.s32 s5, s19  }
0x9d: {  	s8 =	simm.s32 $0x0;
	s20 =	sshll.u32 s6, $0x1;
	s6 =	sadd.s32 s21, s4  }
0x9e: {  	[timem:s8], [sflag:s22] =	dma.local [hbm:s6], s20  }
0x9f: {  	_ =	swait.ge [sflag:s22], s20  }
0xa0: {  	s5 =	ssub.s32 $0x0, s20;
	[sflag:s22] =	ssyncset.done $0x0  }
0xa1: {  	[sflag:s22] =	ssyncadd.s32 s5;
	_ =	sdelay $0x1  }
0xa2: {  	s23 =	simm.s32 $0x1B8B  }
0xa3: {  	_ =	swait.ge [sflag:s23], $0x1  }
0xa4: {  	[sflag:s23] =	ssyncset.done $0x0  }
0xa5: {  	s25 =	simm.s32 $0x1B8E;
	s24 =	sld [smem:$0x3FFE];
	[sflag:s23] =	ssyncadd.s32 $0xFFFFFFFF  }
0xa6: {  	s26 =	simm.s32 $execute0_lowered;
	[smem:$0x3FD2] =	sst s25  }
0xa7: {  	s6 =	sshll.u32 s26, $0x1;
	_ =	strace $0x80000046;
	[dreg:$0x1] =	wrdreg $0xFFFFFFFF  }
0xa8: {  	s28 =	simm.s32 $_size_execute0_lowered;
	s4 =	sadd.s32 s4, s6;
	[dreg:$0x0] =	wrdreg $0x0  }
0xa9: {  	s6 =	sshll.u32 s28, $0x1;
	[dreg:$0x2] =	wrdreg s4  }
0xaa: {  	[dreg:$0x3] =	wrdreg s6  }
0xab: {  	[dreg:$0x4] =	wrdreg $0xC0  }
0xac: {  	_ =	task [dreg:s8], $0x5FFFF  }
0xad: {  	[dreg:$0x1] =	wrdreg $0xFFFFFFFF  }
0xae: {  	[dreg:$0x0] =	wrdreg $0x60  }
0xaf: {  	[dreg:$0x2] =	wrdreg s18  }
0xb0: {  	[dreg:$0x3] =	wrdreg s2  }
0xb1: {  	[dreg:$0x4] =	wrdreg s24  }
0xb2: {  	[dreg:$0x5] =	wrdreg $0x9  }
0xb3: {  	_ =	task.clear_ibuf [dreg:s8], $0x6FFFF;
	_ =	strace $0x90000046  }
0xb4: {  	s29 =	simm.s32 $0x9;
	_ =	strace $0x80000048  }
0xb5: {  	_ =	swait.ge [sflag:s29], $0x1  }
0xb6: {  	[sflag:s29] =	ssyncadd.s32 $0xFFFFFFFF  }
0xb7: {  	_ =	strace $0x90000048  }
0xb8: {  	_ =	sfence  }
0xb9: {  	s30 =	sld [smem:$0x0];
	_ =	sdelay $0x2  }
0xba: {  	s31 =	sshll.u32 s1, $0xD;
	s1 =	sshrl.u32 s1, $0x2  }
0xbb: {  	s3 =	sand.u32 $0x4000, s31;
	s1 =	sadd.s32 s1, s30  }
0xbc: {  	s0 =	sor.u32 s3, s0;
	s1 =	sshll.u32 s1, $0x11  }
0xbd: {  	s0 =	sor.u32 s1, s0  }
0xbe: {  	s0 =	sadd.s32 $0x8F2B, s0  }
0xbf: {  	[sflag:s0] =	ssyncadd.remote.s32 $0x1  }
0xc0: {  	_ =	sfence.sel $0xFFFF  }
0xc1: {  	[dreg:$0x0] =	wrdreg $0xFFFFFFFF;
	(pc) =	sbr.abs _section_cstart, $3  }
0xc2: {  	[dreg:$0x1] =	wrdreg $0xFFFFFFFF  }
0xc3: {  	_ =	task.clear_ibuf [dreg:s8], $0x2FFFF;
	_ =	strace $0x9FFFFFFF  }
0xc4: {  	(tm) =	ssettm $0x7FFFFFFF  }
0xc5: {  	_ =	shalt  }
tec
execute0_lowered:
.L_overlay_start_1:
0x0: {  	(tag) =	ssettag $0x1  }
0x1: {  	s6 =	rddreg [dreg:$0x0]  }
0x2: {  	s0 =	rddreg [dreg:$0x1]  }
0x3: {  	s3 =	rddreg [dreg:$0x2];
	s4 =	srdreg.scid  }
0x4: {  	s2 =	simm.s32 $0x0;
	s1 =	stileid.u32;
	s23 =	simm.s32 $0x3  }
0x5: {  	s22 =	simm.s32 $0x40;
	s21 =	simm.s32 $0x200;
	s20 =	simm.s32 $0x2200  }
0x6: {  	s24 =	simm.s32 $0x80;
	s19 =	simm.s32 $0x4200;
	s25 =	simm.s32 $0xC0  }
0x7: {  	s18 =	simm.s32 $0x6200;
	s26 =	simm.s32 $0x100;
	s17 =	simm.s32 $0x8200  }
0x8: {  	s28 =	simm.s32 $0x140;
	s14 =	simm.s32 $0xA200;
	s29 =	simm.s32 $0x180  }
0x9: {  	p0 =	por $0x0, $0x0;
	s30 =	simm.s32 $0x1C0;
	s4 =	sand.u32 $0x1, s4  }
0xa: {  	s5 =	sshll.u32 s1, $0xA;
	s7 =	sshll.u32 s4, $0x9;
	s4 =	ssub.s32 $0x2, s4  }
0xb: {  	[smem:$0x7FF] =	sst s2;
	s5 =	sor.u32 s7, s5;
	s15 =	sshrl.u32 s4, $0x1  }
0xc: {  	_ =	strace $0x80000047;
	s7 =	sshll.u32 s5, $0x4;
	s12 =	ssub.s32 s4, s15  }
0xd: {  	s5 =	sshrl.u32 s5, $0x3;
	s15 =	simm.s32 $0xC200;
	s16 =	smax.u32 s12, $0x1  }
0xe: {  	s3 =	sadd.s32 s7, s3;
	s0 =	sadd.s32 s0, s5;
	p1 =	sne.s32 s16, $0x1  }
.Ltmp0:
0xf: {  	s12 =	simm.s32 $0xE200;
	[dreg:$0x4] =	wrdreg s0;
	(pc) =	sbr.rel @!p1 .LBB2_3-.Ltmp0, $4  }
0x10: {  	s13 =	sadd.s32 $0x1400, s3;
	s11 =	sadd.s32 $0x1800, s3;
	s10 =	sadd.s32 $0x1C00, s3  }
0x11: {  	s9 =	sadd.s32 $0x2000, s3;
	s8 =	sadd.s32 $0x2400, s3;
	s7 =	sadd.s32 $0x2800, s3  }
0x12: {  	s5 =	sadd.s32 $0x2C00, s3;
	s4 =	sadd.s32 $0x3000, s3;
	s31 =	sadd.s32 $0xFFFFFFFF, s16  }
0x13: {  	s16 =	simm.s32 $0x1;
	s3 =	simm.s32 $0x2;
	s0 =	rddreg [dreg:$0x4]  }
0x14: {  	[tilespmem:s2], [sflag:$0x3] =	stream.linear.gather [hbm4b:s0+s2], $0x200, $0x38;
	[tilespmem:$0x10200] =	vst v63  }
0x15: {  	_ =	swait.ge [sflag:s23], $0x200  }
0x16: {  	[sflag:s23] =	ssyncset.done $0x0  }
0x17: {  	[sflag:s23] =	ssyncadd.s32 $0xFFFFFE00  }
0x18: {  	[tilespmem:s21], [sflag:$0x1] =	stream.indirect.gather [hbm4b:s6+s22], $0x80, s2, s22, $0xb8;
	[tilespmem:$0x10200] =	vst v63  }
0x19: {  	_ = 	snop  }
0x1a: {  	[tilespmem:s20], [sflag:$0x1] =	stream.indirect.gather [hbm4b:s6+s22], $0x80, s22, s22, $0xb8;
	[tilespmem:$0x10200] =	vst v63  }
0x1b: {  	_ = 	snop  }
0x1c: {  	[tilespmem:s19], [sflag:$0x1] =	stream.indirect.gather [hbm4b:s6+s22], $0x80, s24, s22, $0xb8;
	[tilespmem:$0x10200] =	vst v63  }
0x1d: {  	_ = 	snop  }
0x1e: {  	[tilespmem:s18], [sflag:$0x1] =	stream.indirect.gather [hbm4b:s6+s22], $0x80, s25, s22, $0xb8;
	[tilespmem:$0x10200] =	vst v63  }
0x1f: {  	_ = 	snop  }
0x20: {  	[tilespmem:s17], [sflag:$0x1] =	stream.indirect.gather [hbm4b:s6+s22], $0x80, s26, s22, $0xb8;
	[tilespmem:$0x10200] =	vst v63  }
0x21: {  	_ = 	snop  }
0x22: {  	[tilespmem:s14], [sflag:$0x1] =	stream.indirect.gather [hbm4b:s6+s22], $0x80, s28, s22, $0xb8;
	[tilespmem:$0x10200] =	vst v63  }
0x23: {  	_ = 	snop  }
0x24: {  	[tilespmem:s15], [sflag:$0x1] =	stream.indirect.gather [hbm4b:s6+s22], $0x80, s29, s22, $0xb8;
	[tilespmem:$0x10200] =	vst v63  }
0x25: {  	_ = 	snop  }
0x26: {  	[tilespmem:s12], [sflag:$0x1] =	stream.indirect.gather [hbm4b:s6+s22], $0x80, s30, s22, $0xb8;
	[tilespmem:$0x10200] =	vst v63  }
0x27: {  	_ =	swait.ge [sflag:s16], $0x2000  }
0x28: {  	[sflag:s16] =	ssyncset.done $0x0  }
0x29: {  	[sflag:s16] =	ssyncadd.s32 $0xFFFFE000  }
0x2a: {  	[hbm4b:s13+s2] =	stream.linear.scatter [tilespmem:s21], [sflag:$0x2], $0x2000, $0x38;
	[tilespmem:$0x10200] =	vst v63  }
0x2b: {  	_ =	swait.ge [sflag:s16], $0x2000  }
0x2c: {  	[sflag:s16] =	ssyncset.done $0x0  }
0x2d: {  	[sflag:s16] =	ssyncadd.s32 $0xFFFFE000  }
0x2e: {  	[hbm4b:s11+s2] =	stream.linear.scatter [tilespmem:s20], [sflag:$0x2], $0x2000, $0x38;
	[tilespmem:$0x10200] =	vst v63  }
0x2f: {  	_ =	swait.ge [sflag:s16], $0x2000  }
0x30: {  	[sflag:s16] =	ssyncset.done $0x0  }
0x31: {  	[sflag:s16] =	ssyncadd.s32 $0xFFFFE000  }
0x32: {  	[hbm4b:s10+s2] =	stream.linear.scatter [tilespmem:s19], [sflag:$0x2], $0x2000, $0x38;
	[tilespmem:$0x10200] =	vst v63  }
0x33: {  	_ =	swait.ge [sflag:s16], $0x2000  }
0x34: {  	[sflag:s16] =	ssyncset.done $0x0  }
0x35: {  	[sflag:s16] =	ssyncadd.s32 $0xFFFFE000  }
0x36: {  	[hbm4b:s9+s2] =	stream.linear.scatter [tilespmem:s18], [sflag:$0x2], $0x2000, $0x38;
	[tilespmem:$0x10200] =	vst v63  }
0x37: {  	_ =	swait.ge [sflag:s16], $0x2000  }
0x38: {  	[sflag:s16] =	ssyncset.done $0x0  }
0x39: {  	[sflag:s16] =	ssyncadd.s32 $0xFFFFE000  }
0x3a: {  	[hbm4b:s8+s2] =	stream.linear.scatter [tilespmem:s17], [sflag:$0x2], $0x2000, $0x38;
	[tilespmem:$0x10200] =	vst v63  }
0x3b: {  	_ =	swait.ge [sflag:s16], $0x2000  }
0x3c: {  	[sflag:s16] =	ssyncset.done $0x0  }
0x3d: {  	[sflag:s16] =	ssyncadd.s32 $0xFFFFE000  }
0x3e: {  	[hbm4b:s7+s2] =	stream.linear.scatter [tilespmem:s14], [sflag:$0x2], $0x2000, $0x38;
	[tilespmem:$0x10200] =	vst v63  }
0x3f: {  	_ =	swait.ge [sflag:s16], $0x2000  }
0x40: {  	[sflag:s16] =	ssyncset.done $0x0  }
0x41: {  	[sflag:s16] =	ssyncadd.s32 $0xFFFFE000  }
0x42: {  	[hbm4b:s5+s2] =	stream.linear.scatter [tilespmem:s15], [sflag:$0x2], $0x2000, $0x38;
	[tilespmem:$0x10200] =	vst v63  }
0x43: {  	_ =	swait.ge [sflag:s16], $0x2000  }
0x44: {  	[sflag:s16] =	ssyncset.done $0x0  }
0x45: {  	[sflag:s16] =	ssyncadd.s32 $0xFFFFE000  }
0x46: {  	[hbm4b:s4+s2] =	stream.linear.scatter [tilespmem:s12], [sflag:$0x2], $0x2000, $0x38;
	[tilespmem:$0x10200] =	vst v63  }
0x47: {  	_ =	swait.ge [sflag:s3], $0x2000  }
0x48: {  	[sflag:s3] =	ssyncset.done $0x0  }
0x49: {  	[sflag:s3] =	ssyncadd.s32 $0xFFFFE000  }
0x4a: {  	_ =	swait.ge [sflag:s3], $0x2000  }
0x4b: {  	[sflag:s3] =	ssyncset.done $0x0  }
0x4c: {  	[sflag:s3] =	ssyncadd.s32 $0xFFFFE000  }
0x4d: {  	_ =	swait.ge [sflag:s3], $0x2000  }
0x4e: {  	[sflag:s3] =	ssyncset.done $0x0  }
0x4f: {  	[sflag:s3] =	ssyncadd.s32 $0xFFFFE000  }
0x50: {  	_ =	swait.ge [sflag:s3], $0x2000  }
0x51: {  	[sflag:s3] =	ssyncset.done $0x0  }
0x52: {  	[sflag:s3] =	ssyncadd.s32 $0xFFFFE000  }
0x53: {  	_ =	swait.ge [sflag:s3], $0x2000  }
0x54: {  	[sflag:s3] =	ssyncset.done $0x0  }
0x55: {  	[sflag:s3] =	ssyncadd.s32 $0xFFFFE000  }
0x56: {  	_ =	swait.ge [sflag:s3], $0x2000  }
0x57: {  	[sflag:s3] =	ssyncset.done $0x0  }
0x58: {  	p1 =	sne.s32 s31, $0x1;
	[sflag:s3] =	ssyncadd.s32 $0xFFFFE000  }
.Ltmp1:
0x59: {  	_ =	swait.ge [sflag:s3], $0x2000;
	(pc) =	sbr.rel @!p1 .LBB2_3-.Ltmp1, $4  }
0x5a: {  	[sflag:s3] =	ssyncset.done $0x0  }
0x5b: {  	[sflag:s3] =	ssyncadd.s32 $0xFFFFE000  }
0x5c: {  	s31 =	sadd.s32 $0xFFFFFFFF, s31;
	_ =	swait.ge [sflag:s3], $0x2000  }
0x5d: {  	p0 =	por $0x1, $0x1;
	s0 =	rddreg [dreg:$0x4];
	[sflag:s3] =	ssyncset.done $0x0  }
.LBB2_2:
0x5e: {  	[sflag:s3] =	ssyncadd.s32 $0xFFFFE000  }
0x5f: {  	[tilespmem:s2], [sflag:$0x3] =	stream.linear.gather [hbm4b:s0+s2], $0x200, $0x38;
	[tilespmem:$0x10200] =	vst v63  }
0x60: {  	_ =	swait.ge [sflag:s23], $0x200  }
0x61: {  	[sflag:s23] =	ssyncset.done $0x0  }
0x62: {  	[sflag:s23] =	ssyncadd.s32 $0xFFFFFE00  }
0x63: {  	[tilespmem:s21], [sflag:$0x1] =	stream.indirect.gather [hbm4b:s6+s22], $0x80, s2, s22, $0xb8;
	[tilespmem:$0x10200] =	vst v63  }
0x64: {  	_ = 	snop  }
0x65: {  	[tilespmem:s20], [sflag:$0x1] =	stream.indirect.gather [hbm4b:s6+s22], $0x80, s22, s22, $0xb8;
	[tilespmem:$0x10200] =	vst v63  }
0x66: {  	_ = 	snop  }
0x67: {  	[tilespmem:s19], [sflag:$0x1] =	stream.indirect.gather [hbm4b:s6+s22], $0x80, s24, s22, $0xb8;
	[tilespmem:$0x10200] =	vst v63  }
0x68: {  	_ = 	snop  }
0x69: {  	[tilespmem:s18], [sflag:$0x1] =	stream.indirect.gather [hbm4b:s6+s22], $0x80, s25, s22, $0xb8;
	[tilespmem:$0x10200] =	vst v63  }
0x6a: {  	_ = 	snop  }
0x6b: {  	[tilespmem:s17], [sflag:$0x1] =	stream.indirect.gather [hbm4b:s6+s22], $0x80, s26, s22, $0xb8;
	[tilespmem:$0x10200] =	vst v63  }
0x6c: {  	_ = 	snop  }
0x6d: {  	[tilespmem:s14], [sflag:$0x1] =	stream.indirect.gather [hbm4b:s6+s22], $0x80, s28, s22, $0xb8;
	[tilespmem:$0x10200] =	vst v63  }
0x6e: {  	_ = 	snop  }
0x6f: {  	[tilespmem:s15], [sflag:$0x1] =	stream.indirect.gather [hbm4b:s6+s22], $0x80, s29, s22, $0xb8;
	[tilespmem:$0x10200] =	vst v63  }
0x70: {  	_ = 	snop  }
0x71: {  	[tilespmem:s12], [sflag:$0x1] =	stream.indirect.gather [hbm4b:s6+s22], $0x80, s30, s22, $0xb8;
	[tilespmem:$0x10200] =	vst v63  }
0x72: {  	_ =	swait.ge [sflag:s16], $0x2000  }
0x73: {  	[sflag:s16] =	ssyncset.done $0x0  }
0x74: {  	[sflag:s16] =	ssyncadd.s32 $0xFFFFE000  }
0x75: {  	[hbm4b:s13+s2] =	stream.linear.scatter [tilespmem:s21], [sflag:$0x2], $0x2000, $0x38;
	[tilespmem:$0x10200] =	vst v63  }
0x76: {  	_ =	swait.ge [sflag:s16], $0x2000  }
0x77: {  	[sflag:s16] =	ssyncset.done $0x0  }
0x78: {  	[sflag:s16] =	ssyncadd.s32 $0xFFFFE000  }
0x79: {  	[hbm4b:s11+s2] =	stream.linear.scatter [tilespmem:s20], [sflag:$0x2], $0x2000, $0x38;
	[tilespmem:$0x10200] =	vst v63  }
0x7a: {  	_ =	swait.ge [sflag:s16], $0x2000  }
0x7b: {  	[sflag:s16] =	ssyncset.done $0x0  }
0x7c: {  	[sflag:s16] =	ssyncadd.s32 $0xFFFFE000  }
0x7d: {  	[hbm4b:s10+s2] =	stream.linear.scatter [tilespmem:s19], [sflag:$0x2], $0x2000, $0x38;
	[tilespmem:$0x10200] =	vst v63  }
0x7e: {  	_ =	swait.ge [sflag:s16], $0x2000  }
0x7f: {  	[sflag:s16] =	ssyncset.done $0x0  }
0x80: {  	[sflag:s16] =	ssyncadd.s32 $0xFFFFE000  }
0x81: {  	[hbm4b:s9+s2] =	stream.linear.scatter [tilespmem:s18], [sflag:$0x2], $0x2000, $0x38;
	[tilespmem:$0x10200] =	vst v63  }
0x82: {  	_ =	swait.ge [sflag:s16], $0x2000  }
0x83: {  	[sflag:s16] =	ssyncset.done $0x0  }
0x84: {  	[sflag:s16] =	ssyncadd.s32 $0xFFFFE000  }
0x85: {  	[hbm4b:s8+s2] =	stream.linear.scatter [tilespmem:s17], [sflag:$0x2], $0x2000, $0x38;
	[tilespmem:$0x10200] =	vst v63  }
0x86: {  	_ =	swait.ge [sflag:s16], $0x2000  }
0x87: {  	[sflag:s16] =	ssyncset.done $0x0  }
0x88: {  	[sflag:s16] =	ssyncadd.s32 $0xFFFFE000  }
0x89: {  	[hbm4b:s7+s2] =	stream.linear.scatter [tilespmem:s14], [sflag:$0x2], $0x2000, $0x38;
	[tilespmem:$0x10200] =	vst v63  }
0x8a: {  	_ =	swait.ge [sflag:s16], $0x2000  }
0x8b: {  	[sflag:s16] =	ssyncset.done $0x0  }
0x8c: {  	[sflag:s16] =	ssyncadd.s32 $0xFFFFE000  }
0x8d: {  	[hbm4b:s5+s2] =	stream.linear.scatter [tilespmem:s15], [sflag:$0x2], $0x2000, $0x38;
	[tilespmem:$0x10200] =	vst v63  }
0x8e: {  	_ =	swait.ge [sflag:s16], $0x2000  }
0x8f: {  	[sflag:s16] =	ssyncset.done $0x0  }
0x90: {  	[sflag:s16] =	ssyncadd.s32 $0xFFFFE000  }
0x91: {  	[hbm4b:s4+s2] =	stream.linear.scatter [tilespmem:s12], [sflag:$0x2], $0x2000, $0x38;
	[tilespmem:$0x10200] =	vst v63  }
0x92: {  	_ =	swait.ge [sflag:s3], $0x2000  }
0x93: {  	[sflag:s3] =	ssyncset.done $0x0  }
0x94: {  	[sflag:s3] =	ssyncadd.s32 $0xFFFFE000  }
0x95: {  	_ =	swait.ge [sflag:s3], $0x2000  }
0x96: {  	[sflag:s3] =	ssyncset.done $0x0  }
0x97: {  	[sflag:s3] =	ssyncadd.s32 $0xFFFFE000  }
0x98: {  	_ =	swait.ge [sflag:s3], $0x2000  }
0x99: {  	[sflag:s3] =	ssyncset.done $0x0  }
0x9a: {  	[sflag:s3] =	ssyncadd.s32 $0xFFFFE000  }
0x9b: {  	_ =	swait.ge [sflag:s3], $0x2000  }
0x9c: {  	[sflag:s3] =	ssyncset.done $0x0  }
0x9d: {  	[sflag:s3] =	ssyncadd.s32 $0xFFFFE000  }
0x9e: {  	_ =	swait.ge [sflag:s3], $0x2000  }
0x9f: {  	[sflag:s3] =	ssyncset.done $0x0  }
0xa0: {  	[sflag:s3] =	ssyncadd.s32 $0xFFFFE000  }
0xa1: {  	_ =	swait.ge [sflag:s3], $0x2000  }
0xa2: {  	[sflag:s3] =	ssyncset.done $0x0  }
0xa3: {  	p1 =	sne.s32 s31, $0x1;
	[sflag:s3] =	ssyncadd.s32 $0xFFFFE000  }
.Ltmp2:
0xa4: {  	_ =	swait.ge [sflag:s3], $0x2000;
	(pc) =	sbr.rel @p1 .LBB2_2-.Ltmp2, $4  }
0xa5: {  	[sflag:s3] =	ssyncset.done $0x0  }
0xa6: {  	[sflag:s3] =	ssyncadd.s32 $0xFFFFE000  }
0xa7: {  	_ =	swait.ge [sflag:s3], $0x2000  }
0xa8: {  	s31 =	sadd.s32 $0xFFFFFFFF, s31;
	s0 =	rddreg [dreg:$0x4];
	[sflag:s3] =	ssyncset.done $0x0  }
.LBB2_3:
0xa9: {  	[sflag:s3] =	ssyncadd.s32 @p0 $0xFFFFE000  }
0xaa: {  	[tilespmem:s2], [sflag:$0x3] =	stream.linear.gather [hbm4b:s0+s2], $0x200, $0x38;
	[tilespmem:$0x10200] =	vst v63  }
0xab: {  	_ =	swait.ge [sflag:s23], $0x200  }
0xac: {  	[sflag:s23] =	ssyncset.done $0x0  }
0xad: {  	[sflag:s23] =	ssyncadd.s32 $0xFFFFFE00  }
0xae: {  	[tilespmem:s21], [sflag:$0x1] =	stream.indirect.gather [hbm4b:s6+s22], $0x80, s2, s22, $0xb8;
	[tilespmem:$0x10200] =	vst v63  }
0xaf: {  	_ = 	snop  }
0xb0: {  	[tilespmem:s20], [sflag:$0x1] =	stream.indirect.gather [hbm4b:s6+s22], $0x80, s22, s22, $0xb8;
	[tilespmem:$0x10200] =	vst v63  }
0xb1: {  	_ = 	snop  }
0xb2: {  	[tilespmem:s19], [sflag:$0x1] =	stream.indirect.gather [hbm4b:s6+s22], $0x80, s24, s22, $0xb8;
	[tilespmem:$0x10200] =	vst v63  }
0xb3: {  	_ = 	snop  }
0xb4: {  	[tilespmem:s18], [sflag:$0x1] =	stream.indirect.gather [hbm4b:s6+s22], $0x80, s25, s22, $0xb8;
	[tilespmem:$0x10200] =	vst v63  }
0xb5: {  	_ = 	snop  }
0xb6: {  	[tilespmem:s17], [sflag:$0x1] =	stream.indirect.gather [hbm4b:s6+s22], $0x80, s26, s22, $0xb8;
	[tilespmem:$0x10200] =	vst v63  }
0xb7: {  	_ = 	snop  }
0xb8: {  	[tilespmem:s14], [sflag:$0x1] =	stream.indirect.gather [hbm4b:s6+s22], $0x80, s28, s22, $0xb8;
	[tilespmem:$0x10200] =	vst v63  }
0xb9: {  	_ = 	snop  }
0xba: {  	[tilespmem:s15], [sflag:$0x1] =	stream.indirect.gather [hbm4b:s6+s22], $0x80, s29, s22, $0xb8;
	[tilespmem:$0x10200] =	vst v63  }
0xbb: {  	_ = 	snop  }
0xbc: {  	[tilespmem:s12], [sflag:$0x1] =	stream.indirect.gather [hbm4b:s6+s22], $0x80, s30, s22, $0xb8;
	[tilespmem:$0x10200] =	vst v63  }
0xbd: {  	_ =	swait.ge [sflag:s16], $0x2000  }
0xbe: {  	[sflag:s16] =	ssyncset.done $0x0  }
0xbf: {  	[sflag:s16] =	ssyncadd.s32 $0xFFFFE000  }
0xc0: {  	[hbm4b:s13+s2] =	stream.linear.scatter [tilespmem:s21], [sflag:$0x2], $0x2000, $0x38;
	[tilespmem:$0x10200] =	vst v63  }
0xc1: {  	_ =	swait.ge [sflag:s16], $0x2000  }
0xc2: {  	[sflag:s16] =	ssyncset.done $0x0  }
0xc3: {  	[sflag:s16] =	ssyncadd.s32 $0xFFFFE000  }
0xc4: {  	[hbm4b:s11+s2] =	stream.linear.scatter [tilespmem:s20], [sflag:$0x2], $0x2000, $0x38;
	[tilespmem:$0x10200] =	vst v63  }
0xc5: {  	_ =	swait.ge [sflag:s16], $0x2000  }
0xc6: {  	[sflag:s16] =	ssyncset.done $0x0  }
0xc7: {  	[sflag:s16] =	ssyncadd.s32 $0xFFFFE000  }
0xc8: {  	[hbm4b:s10+s2] =	stream.linear.scatter [tilespmem:s19], [sflag:$0x2], $0x2000, $0x38;
	[tilespmem:$0x10200] =	vst v63  }
0xc9: {  	_ =	swait.ge [sflag:s16], $0x2000  }
0xca: {  	[sflag:s16] =	ssyncset.done $0x0  }
0xcb: {  	[sflag:s16] =	ssyncadd.s32 $0xFFFFE000  }
0xcc: {  	[hbm4b:s9+s2] =	stream.linear.scatter [tilespmem:s18], [sflag:$0x2], $0x2000, $0x38;
	[tilespmem:$0x10200] =	vst v63  }
0xcd: {  	_ =	swait.ge [sflag:s16], $0x2000  }
0xce: {  	[sflag:s16] =	ssyncset.done $0x0  }
0xcf: {  	[sflag:s16] =	ssyncadd.s32 $0xFFFFE000  }
0xd0: {  	[hbm4b:s8+s2] =	stream.linear.scatter [tilespmem:s17], [sflag:$0x2], $0x2000, $0x38;
	[tilespmem:$0x10200] =	vst v63  }
0xd1: {  	_ =	swait.ge [sflag:s16], $0x2000  }
0xd2: {  	[sflag:s16] =	ssyncset.done $0x0  }
0xd3: {  	[sflag:s16] =	ssyncadd.s32 $0xFFFFE000  }
0xd4: {  	[hbm4b:s7+s2] =	stream.linear.scatter [tilespmem:s14], [sflag:$0x2], $0x2000, $0x38;
	[tilespmem:$0x10200] =	vst v63  }
0xd5: {  	_ =	swait.ge [sflag:s16], $0x2000  }
0xd6: {  	[sflag:s16] =	ssyncset.done $0x0  }
0xd7: {  	[sflag:s16] =	ssyncadd.s32 $0xFFFFE000  }
0xd8: {  	[hbm4b:s5+s2] =	stream.linear.scatter [tilespmem:s15], [sflag:$0x2], $0x2000, $0x38;
	[tilespmem:$0x10200] =	vst v63  }
0xd9: {  	_ =	swait.ge [sflag:s16], $0x2000  }
0xda: {  	[sflag:s16] =	ssyncset.done $0x0  }
0xdb: {  	[sflag:s16] =	ssyncadd.s32 $0xFFFFE000  }
0xdc: {  	[hbm4b:s4+s2] =	stream.linear.scatter [tilespmem:s12], [sflag:$0x2], $0x2000, $0x38;
	[tilespmem:$0x10200] =	vst v63  }
0xdd: {  	_ =	swait.ge [sflag:s3], $0x2000  }
0xde: {  	[sflag:s3] =	ssyncset.done $0x0  }
0xdf: {  	[sflag:s3] =	ssyncadd.s32 $0xFFFFE000  }
0xe0: {  	_ =	swait.ge [sflag:s3], $0x2000  }
0xe1: {  	[sflag:s3] =	ssyncset.done $0x0  }
0xe2: {  	[sflag:s3] =	ssyncadd.s32 $0xFFFFE000  }
0xe3: {  	_ =	swait.ge [sflag:s3], $0x2000  }
0xe4: {  	[sflag:s3] =	ssyncset.done $0x0  }
0xe5: {  	[sflag:s3] =	ssyncadd.s32 $0xFFFFE000  }
0xe6: {  	_ =	swait.ge [sflag:s3], $0x2000  }
0xe7: {  	[sflag:s3] =	ssyncset.done $0x0  }
0xe8: {  	[sflag:s3] =	ssyncadd.s32 $0xFFFFE000  }
0xe9: {  	_ =	swait.ge [sflag:s3], $0x2000  }
0xea: {  	[sflag:s3] =	ssyncset.done $0x0  }
0xeb: {  	[sflag:s3] =	ssyncadd.s32 $0xFFFFE000  }
0xec: {  	_ =	swait.ge [sflag:s3], $0x2000  }
0xed: {  	[sflag:s3] =	ssyncset.done $0x0  }
0xee: {  	[sflag:s3] =	ssyncadd.s32 $0xFFFFE000  }
0xef: {  	_ =	swait.ge [sflag:s3], $0x2000  }
0xf0: {  	[sflag:s3] =	ssyncset.done $0x0  }
0xf1: {  	[sflag:s3] =	ssyncadd.s32 $0xFFFFE000  }
0xf2: {  	_ =	swait.ge [sflag:s3], $0x2000  }
0xf3: {  	[sflag:s3] =	ssyncset.done $0x0  }
0xf4: {  	[sflag:s3] =	ssyncadd.s32 $0xFFFFE000  }
0xf5: {  	_ =	sfence.sel $0x180000  }
0xf6: {  	[bflag:$0x0] =	sbarrier.arrive $0xFFFF  }
0xf7: {  	_ =	strace $0x90000047  }
0xf8: {  	[bflag:$0x2] =	sbarrier.arrive $0xFFFF  }
0xf9: {  	p0 =	sne.s32 s1, $0x0;
	s0 =	rddreg [dreg:$0x3]  }
0xfa: {  	s0 =	sadd.s32 @!p0 $0x100000, s0  }
0xfb: {  	[sflag:s0] =	ssyncadd.tile.s32 @!p0 $0x1;
	_ =	shalt  }
.Lfunc_end2:
_tile_overlayer_lowered:
.L_overlay_start_2:
0xfc: {  	(tag) =	ssettag $0x2  }
0xfd: {  	s0 =	rddreg [dreg:$0x0];
	s2 =	stileid.u32  }
0xfe: {  	s1 =	rddreg [dreg:$0x1];
	p0 =	sne.s32 s2, $0x0  }
0xff: {  	s3 =	rddreg [dreg:$0x2];
	[bflag:$0x3] =	sbarrier.arrive $0xFFFF;
	s2 =	simm.s32 @!p0 $0x1C03  }
0x100: {  	[timem:s3], [sflag:s2] =	dma.local @!p0 [hbm:s0], s1  }
0x101: {  	s0 =	simm.s32 @!p0 $0x3  }
0x102: {  	_ =	swait.ge @!p0 [sflag:s0], s1  }
0x103: {  	s1 =	ssub.s32 @!p0 $0x0, s1;
	[sflag:s0] =	ssyncset.done @!p0 $0x0  }
0x104: {  	[sflag:s0] =	ssyncadd.s32 @!p0 s1  }
0x105: {  	[bflag:$0x3] =	sbarrier.arrive $0xFFFF  }
0x106: {  	_ =	shalt  }

</sc_bundles>
